<compile_context>
chip_gen: v7x
topology: tpu7x:2x2x1
jax: 0.10.2.dev20260603
libtpu: 0.0.44.dev20260713+nightly
codegen_flags: <defaults>
</compile_context>

<pallas_src>
import functools

import jax
import jax.numpy as jnp
from jax import lax
from jax.experimental import pallas as pl
from jax.experimental.pallas import tpu as pltpu
from jax.experimental.pallas import tpu_sc as plsc

_N = 10000
_E = 320000
_H = 128
_G = 32
_T = 5

_NCORES = 2
_NSUB = 16
_NTILES = _NCORES * _NSUB
_EPT = _E // _NTILES
_CHUNK = 80
_NCHUNK = _EPT // _CHUNK
_NPAD = 10240
_RPT = _NPAD // _NSUB

_mesh = plsc.VectorSubcoreMesh(core_axis_name="c", subcore_axis_name="s",
                               num_cores=_NCORES, num_subcores=_NSUB)


_DW = 128


@functools.partial(
    pl.kernel,
    out_type=jax.ShapeDtypeStruct((_NCORES * _NPAD, _DW), jnp.float32),
    mesh=_mesh,
    scratch_types=[
        pltpu.VMEM((_NCHUNK, _CHUNK), jnp.int32),
        pltpu.VMEM((_CHUNK, _DW), jnp.float32),
        pltpu.VMEM_SHARED((_NPAD, _DW), jnp.float32),
    ],
)
def _sc_degree(dst_hbm, ones_hbm, zeros_hbm, out_hbm, dst_v, ones_v, acc_sh):
    c = lax.axis_index("c")
    s = lax.axis_index("s")
    tid = c * _NSUB + s
    pltpu.sync_copy(zeros_hbm, acc_sh.at[pl.ds(s * _RPT, _RPT)])
    pltpu.sync_copy(ones_hbm, ones_v)
    pltpu.sync_copy(dst_hbm.at[tid], dst_v)
    plsc.subcore_barrier()

    def step(j, _):
        pltpu.sync_copy(ones_v, acc_sh.at[dst_v.at[j]], add=True)
        return 0

    lax.fori_loop(0, _NCHUNK, step, 0)
    plsc.subcore_barrier()
    pltpu.sync_copy(acc_sh.at[pl.ds(s * _RPT, _RPT)],
                    out_hbm.at[pl.ds(c * _NPAD + s * _RPT, _RPT)])


@functools.partial(
    pl.kernel,
    out_type=jax.ShapeDtypeStruct((_NCORES * _NPAD, _H), jnp.float32),
    mesh=_mesh,
    scratch_types=[
        pltpu.VMEM((_NCHUNK, _CHUNK), jnp.int32),
        pltpu.VMEM((_NCHUNK, _CHUNK), jnp.int32),
        pltpu.VMEM((_CHUNK, _H), jnp.float32),
        pltpu.VMEM_SHARED((_NPAD, _H), jnp.float32),
        pltpu.SemaphoreType.DMA,
    ],
)
def _sc_edge(ht_hbm, src_hbm, dst_hbm, zeros_hbm, out_hbm, src_v, dst_v,
             buf_v, acc_sh, sem):
    c = lax.axis_index("c")
    s = lax.axis_index("s")
    tid = c * _NSUB + s
    pltpu.sync_copy(zeros_hbm, acc_sh.at[pl.ds(s * _RPT, _RPT)])
    pltpu.sync_copy(src_hbm.at[tid], src_v)
    pltpu.sync_copy(dst_hbm.at[tid], dst_v)
    plsc.subcore_barrier()

    def step(j, _):
        pltpu.async_copy(ht_hbm.at[src_v.at[j]], buf_v, sem).wait()
        pltpu.sync_copy(buf_v, acc_sh.at[dst_v.at[j]], add=True)
        return 0

    lax.fori_loop(0, _NCHUNK, step, 0)
    plsc.subcore_barrier()
    pltpu.sync_copy(acc_sh.at[pl.ds(s * _RPT, _RPT)],
                    out_hbm.at[pl.ds(c * _NPAD + s * _RPT, _RPT)])


def _tc_pre_body(degp_ref, x_ref, w_ref, dinv_ref, ht_ref):
    deg = degp_ref[0, 0:_N, 0:1] + degp_ref[1, 0:_N, 0:1] + 1.0
    dinv = lax.rsqrt(deg)
    dinv_bc = jnp.broadcast_to(dinv, (_N, _H))
    dinv_ref[...] = dinv_bc
    h = jnp.dot(x_ref[...], w_ref[...], preferred_element_type=jnp.float32)
    ht_ref[...] = h * dinv_bc


def _tc_mid_body(p_ref, ht_ref, dinv_ref, b_ref, g_ref, be_ref, w_ref,
                 out_ref):
    dinv = dinv_ref[...]
    z = dinv * (p_ref[0, 0:_N] + p_ref[1, 0:_N] + ht_ref[...]) + b_ref[...]
    m = jnp.mean(z, axis=0, keepdims=True)
    v = jnp.mean((z - m) ** 2, axis=0, keepdims=True)
    y = jax.nn.relu((z - m) * lax.rsqrt(v + 1e-5) * g_ref[...] + be_ref[...])
    out_ref[...] = jnp.dot(y, w_ref[...],
                           preferred_element_type=jnp.float32) * dinv


def _tc_final_body(p_ref, ht_ref, dinv_ref, b_ref, g_ref, be_ref, batch_ref,
                   wout_ref, bout_ref, out_ref):
    dinv = dinv_ref[...]
    z = dinv * (p_ref[0, 0:_N] + p_ref[1, 0:_N] + ht_ref[...]) + b_ref[...]
    m = jnp.mean(z, axis=0, keepdims=True)
    v = jnp.mean((z - m) ** 2, axis=0, keepdims=True)
    y = jax.nn.relu((z - m) * lax.rsqrt(v + 1e-5) * g_ref[...] + be_ref[...])
    gids = lax.broadcasted_iota(jnp.int32, (1, _G), 1)
    oh = (batch_ref[...] == gids).astype(jnp.float32)
    dn = (((0,), (0,)), ((), ()))
    psum = lax.dot_general(oh, y, dn,
                           preferred_element_type=jnp.float32)
    cnt = lax.dot_general(oh, jnp.ones((_N, 1), jnp.float32), dn,
                          preferred_element_type=jnp.float32)
    pooled = psum / jnp.maximum(cnt, 1.0)
    out_ref[...] = jnp.dot(pooled, wout_ref[...],
                           preferred_element_type=jnp.float32) + bout_ref[...]


def _tc_pre(degp, x, w1):
    return pl.pallas_call(
        _tc_pre_body,
        out_shape=(jax.ShapeDtypeStruct((_N, _H), jnp.float32),
                   jax.ShapeDtypeStruct((_N, _H), jnp.float32)),
    )(degp, x, w1)


def _tc_mid(parts, ht, dinv_bc, b, g, be, wn):
    return pl.pallas_call(
        _tc_mid_body,
        out_shape=jax.ShapeDtypeStruct((_N, _H), jnp.float32),
    )(parts, ht, dinv_bc, b, g, be, wn)


def _tc_final(parts, ht, dinv_bc, b, g, be, batch2d, wout, bout):
    return pl.pallas_call(
        _tc_final_body,
        out_shape=jax.ShapeDtypeStruct((_G, _T), jnp.float32),
    )(parts, ht, dinv_bc, b, g, be, batch2d, wout, bout)


def kernel(x, edge_index, batch, W1, b1, g1, be1, W2, b2, g2, be2, W3, b3, g3,
           be3, Wout, bout):
    src2 = edge_index[0].reshape(_NTILES, _NCHUNK, _CHUNK)
    dst2 = edge_index[1].reshape(_NTILES, _NCHUNK, _CHUNK)
    zeros = jnp.zeros((_RPT, _H), jnp.float32)
    ones_dw = jnp.ones((_CHUNK, _DW), jnp.float32)
    zeros_dw = jnp.zeros((_RPT, _DW), jnp.float32)
    batch2d = batch.reshape(_N, 1)
    b1r, g1r, be1r = b1.reshape(1, _H), g1.reshape(1, _H), be1.reshape(1, _H)
    b2r, g2r, be2r = b2.reshape(1, _H), g2.reshape(1, _H), be2.reshape(1, _H)
    b3r, g3r, be3r = b3.reshape(1, _H), g3.reshape(1, _H), be3.reshape(1, _H)
    boutr = bout.reshape(1, _T)

    degp = _sc_degree(dst2, ones_dw, zeros_dw).reshape(_NCORES, _NPAD, _DW)
    dinv_bc, ht1 = _tc_pre(degp, x, W1)
    acc1 = _sc_edge(ht1, src2, dst2, zeros).reshape(_NCORES, _NPAD, _H)
    ht2 = _tc_mid(acc1, ht1, dinv_bc, b1r, g1r, be1r, W2)
    acc2 = _sc_edge(ht2, src2, dst2, zeros).reshape(_NCORES, _NPAD, _H)
    ht3 = _tc_mid(acc2, ht2, dinv_bc, b2r, g2r, be2r, W3)
    acc3 = _sc_edge(ht3, src2, dst2, zeros).reshape(_NCORES, _NPAD, _H)
    return _tc_final(acc3, ht3, dinv_bc, b3r, g3r, be3r, batch2d, Wout, boutr)

# --- scband reference (transcript-rebuilt; emitter-appended) ---
"""Pipeline reference for scband-robust-polymer-gcn-16097537425803 (READ-ONLY COPY).

The authoritative reference and input builder live on the scoring server;
editing this copy changes nothing except your own understanding.
"""

import jax, jax.numpy as jnp
import numpy as np

N = 10000
E = 320000
D = 128
H = 128
G = 32
T = 5


def setup_inputs(seed: int = 0):
    key = jax.random.key(seed)
    ks = jax.random.split(key, 12)
    inp = {}
    inp["x"] = jax.random.normal(ks[0], (N, D), dtype=jnp.float32)
    inp["edge_index"] = jax.random.randint(ks[1], (2, E), 0, N, dtype=jnp.int32)
    inp["batch"] = jnp.sort(jax.random.randint(ks[2], (N,), 0, G, dtype=jnp.int32))
    inp["W1"] = jax.random.normal(ks[3], (D, H), dtype=jnp.float32) * 0.05
    inp["b1"] = jnp.zeros((H,), jnp.float32)
    inp["g1"] = jnp.ones((H,), jnp.float32)
    inp["be1"] = jnp.zeros((H,), jnp.float32)
    inp["W2"] = jax.random.normal(ks[4], (H, H), dtype=jnp.float32) * 0.05
    inp["b2"] = jnp.zeros((H,), jnp.float32)
    inp["g2"] = jnp.ones((H,), jnp.float32)
    inp["be2"] = jnp.zeros((H,), jnp.float32)
    inp["W3"] = jax.random.normal(ks[5], (H, H), dtype=jnp.float32) * 0.05
    inp["b3"] = jnp.zeros((H,), jnp.float32)
    inp["g3"] = jnp.ones((H,), jnp.float32)
    inp["be3"] = jnp.zeros((H,), jnp.float32)
    inp["Wout"] = jax.random.normal(ks[6], (H, T), dtype=jnp.float32) * 0.05
    inp["bout"] = jnp.zeros((T,), jnp.float32)
    return inp


def _gcn_conv(x, W, b, src, dst, n):
    # GCNConv: linear transform, add self loops, symmetric normalization, scatter-add
    h = x @ W
    sl = jnp.arange(n, dtype=src.dtype)
    s = jnp.concatenate([src, sl])
    d = jnp.concatenate([dst, sl])
    deg = jax.ops.segment_sum(jnp.ones(s.shape, h.dtype), d, num_segments=n)
    dinv = jnp.where(deg > 0, deg ** -0.5, 0.0)
    norm = dinv[s] * dinv[d]
    msg = h[s] * norm[:, None]
    out = jax.ops.segment_sum(msg, d, num_segments=n)
    return out + b


def _bn(h, g, b):
    m = h.mean(axis=0)
    v = h.var(axis=0)
    return (h - m) / jnp.sqrt(v + 1e-5) * g + b


def reference(x, edge_index, batch, W1, b1, g1, be1, W2, b2, g2, be2, W3, b3, g3, be3, Wout, bout):
    src, dst = edge_index[0], edge_index[1]
    h = x
    for (W, b, g, be) in ((W1, b1, g1, be1), (W2, b2, g2, be2), (W3, b3, g3, be3)):
        h = jax.nn.relu(_bn(_gcn_conv(h, W, b, src, dst, N), g, be))
    ssum = jax.ops.segment_sum(h, batch, num_segments=G)
    cnt = jax.ops.segment_sum(jnp.ones((N,), h.dtype), batch, num_segments=G)
    pooled = ssum / jnp.maximum(cnt, 1.0)[:, None]
    return pooled @ Wout + bout

if __name__ == "__main__":
    import jax
    _d = setup_inputs()
    print(jax.jit(kernel)(*tuple(_d.values())))

</pallas_src>

<mosaic_0001>
#map = affine_map<(d0, d1) -> (0, 0)>
#map1 = affine_map<(d0, d1) -> (0, 0, 0)>
module attributes {stable_mosaic.version = 14 : i64} {
  func.func @_sc_edge(%arg0: i32, %arg1: i32, %arg2: memref<10000x128xf32, #tpu.memory_space<hbm>>, %arg3: memref<32x125x80xi32, #tpu.memory_space<hbm>>, %arg4: memref<32x125x80xi32, #tpu.memory_space<hbm>>, %arg5: memref<640x128xf32, #tpu.memory_space<hbm>>, %arg6: memref<20480x128xf32, #tpu.memory_space<hbm>>, %arg7: memref<125x80xi32, #tpu.memory_space<vmem>>, %arg8: memref<125x80xi32, #tpu.memory_space<vmem>>, %arg9: memref<80x128xf32, #tpu.memory_space<vmem>>, %arg10: memref<10240x128xf32, #tpu.memory_space<vmem_shared>>, %arg11: memref<!tpu.dma_semaphore, #tpu.memory_space<semaphore_mem>>) attributes {dimension_semantics = [#tpu.dimension_semantics<core_parallel>, #tpu.dimension_semantics<subcore_parallel>], iteration_bounds = array<i64: 2, 16>, scalar_prefetch = 0 : i64, scratch_operands = 5 : i64, tpu.core_type = #tpu.core_type<sc_vector_subcore>, window_params = [{transform_indices = #map}, {transform_indices = #map1}, {transform_indices = #map1}, {transform_indices = #map}, {transform_indices = #map}]} {
    %mul3A = arith.constant 16 : i32
    %mul3A_0 = arith.muli %arg0, %mul3A : i32
    %add3A = arith.addi %mul3A_0, %arg1 : i32
    %mul3A_1 = arith.constant 640 : i32
    %mul3A_2 = arith.muli %arg1, %mul3A_1 : i32
    "tpu.region"() ({
      %run_scoped3A = tpu.sem_alloc : memref<!tpu.dma_semaphore, #tpu.memory_space<semaphore_mem>>
      %dma_start3A = arith.constant 0 : i32
      %dma_start3A_17 = tpu.memref_slice %arg10[%mul3A_2, %dma_start3A] : memref<10240x128xf32, #tpu.memory_space<vmem_shared>> -> memref<640x128xf32, #tpu.memory_space<vmem_shared>>
      tpu.enqueue_dma source(%arg5 : memref<640x128xf32, #tpu.memory_space<hbm>>) target(%dma_start3A_17 : memref<640x128xf32, #tpu.memory_space<vmem_shared>>) target_semaphore(%run_scoped3A : memref<!tpu.dma_semaphore, #tpu.memory_space<semaphore_mem>>)
      %dma_wait3A = arith.constant 0 : i32
      %dma_wait3A_18 = tpu.memref_slice %arg10[%mul3A_2, %dma_wait3A] : memref<10240x128xf32, #tpu.memory_space<vmem_shared>> -> memref<640x128xf32, #tpu.memory_space<vmem_shared>>
      tpu.wait_dma2 semaphore(%run_scoped3A : memref<!tpu.dma_semaphore, #tpu.memory_space<semaphore_mem>>) src(%arg5 : memref<640x128xf32, #tpu.memory_space<hbm>>) dst(%dma_wait3A_18 : memref<640x128xf32, #tpu.memory_space<vmem_shared>>)
      tpu.yield
    }) : () -> ()
    "tpu.region"() ({
      %run_scoped3A = tpu.sem_alloc : memref<!tpu.dma_semaphore, #tpu.memory_space<semaphore_mem>>
      %dma_start3A = arith.constant 0 : i32
      %dma_start3A_17 = arith.constant 0 : i32
      %dma_start3A_18 = tpu.memref_slice %arg3[%add3A, %dma_start3A, %dma_start3A_17] : memref<32x125x80xi32, #tpu.memory_space<hbm>> -> memref<1x125x80xi32, #tpu.memory_space<hbm>>
      %dma_start3A_19 = tpu.memref_squeeze %dma_start3A_18 : memref<1x125x80xi32, #tpu.memory_space<hbm>> -> memref<125x80xi32, #tpu.memory_space<hbm>>
      %dma_start3A_20 = arith.constant 0 : i32
      %dma_start3A_21 = arith.constant 0 : i32
      %dma_start3A_22 = tpu.memref_slice %arg3[%add3A, %dma_start3A_20, %dma_start3A_21] : memref<32x125x80xi32, #tpu.memory_space<hbm>> -> memref<1x125x80xi32, #tpu.memory_space<hbm>>
      %dma_start3A_23 = tpu.memref_squeeze %dma_start3A_22 : memref<1x125x80xi32, #tpu.memory_space<hbm>> -> memref<125x80xi32, #tpu.memory_space<hbm>>
      tpu.enqueue_dma source(%dma_start3A_23 : memref<125x80xi32, #tpu.memory_space<hbm>>) target(%arg7 : memref<125x80xi32, #tpu.memory_space<vmem>>) target_semaphore(%run_scoped3A : memref<!tpu.dma_semaphore, #tpu.memory_space<semaphore_mem>>)
      %dma_wait3A = arith.constant 0 : i32
      %dma_wait3A_24 = arith.constant 0 : i32
      %dma_wait3A_25 = tpu.memref_slice %arg3[%add3A, %dma_wait3A, %dma_wait3A_24] : memref<32x125x80xi32, #tpu.memory_space<hbm>> -> memref<1x125x80xi32, #tpu.memory_space<hbm>>
      %dma_wait3A_26 = tpu.memref_squeeze %dma_wait3A_25 : memref<1x125x80xi32, #tpu.memory_space<hbm>> -> memref<125x80xi32, #tpu.memory_space<hbm>>
      %dma_wait3A_27 = arith.constant 0 : i32
      %dma_wait3A_28 = arith.constant 0 : i32
      %dma_wait3A_29 = tpu.memref_slice %arg3[%add3A, %dma_wait3A_27, %dma_wait3A_28] : memref<32x125x80xi32, #tpu.memory_space<hbm>> -> memref<1x125x80xi32, #tpu.memory_space<hbm>>
      %dma_wait3A_30 = tpu.memref_squeeze %dma_wait3A_29 : memref<1x125x80xi32, #tpu.memory_space<hbm>> -> memref<125x80xi32, #tpu.memory_space<hbm>>
      tpu.wait_dma2 semaphore(%run_scoped3A : memref<!tpu.dma_semaphore, #tpu.memory_space<semaphore_mem>>) src(%dma_wait3A_30 : memref<125x80xi32, #tpu.memory_space<hbm>>) dst(%arg7 : memref<125x80xi32, #tpu.memory_space<vmem>>)
      tpu.yield
    }) : () -> ()
    "tpu.region"() ({
      %run_scoped3A = tpu.sem_alloc : memref<!tpu.dma_semaphore, #tpu.memory_space<semaphore_mem>>
      %dma_start3A = arith.constant 0 : i32
      %dma_start3A_17 = arith.constant 0 : i32
      %dma_start3A_18 = tpu.memref_slice %arg4[%add3A, %dma_start3A, %dma_start3A_17] : memref<32x125x80xi32, #tpu.memory_space<hbm>> -> memref<1x125x80xi32, #tpu.memory_space<hbm>>
      %dma_start3A_19 = tpu.memref_squeeze %dma_start3A_18 : memref<1x125x80xi32, #tpu.memory_space<hbm>> -> memref<125x80xi32, #tpu.memory_space<hbm>>
      %dma_start3A_20 = arith.constant 0 : i32
      %dma_start3A_21 = arith.constant 0 : i32
      %dma_start3A_22 = tpu.memref_slice %arg4[%add3A, %dma_start3A_20, %dma_start3A_21] : memref<32x125x80xi32, #tpu.memory_space<hbm>> -> memref<1x125x80xi32, #tpu.memory_space<hbm>>
      %dma_start3A_23 = tpu.memref_squeeze %dma_start3A_22 : memref<1x125x80xi32, #tpu.memory_space<hbm>> -> memref<125x80xi32, #tpu.memory_space<hbm>>
      tpu.enqueue_dma source(%dma_start3A_23 : memref<125x80xi32, #tpu.memory_space<hbm>>) target(%arg8 : memref<125x80xi32, #tpu.memory_space<vmem>>) target_semaphore(%run_scoped3A : memref<!tpu.dma_semaphore, #tpu.memory_space<semaphore_mem>>)
      %dma_wait3A = arith.constant 0 : i32
      %dma_wait3A_24 = arith.constant 0 : i32
      %dma_wait3A_25 = tpu.memref_slice %arg4[%add3A, %dma_wait3A, %dma_wait3A_24] : memref<32x125x80xi32, #tpu.memory_space<hbm>> -> memref<1x125x80xi32, #tpu.memory_space<hbm>>
      %dma_wait3A_26 = tpu.memref_squeeze %dma_wait3A_25 : memref<1x125x80xi32, #tpu.memory_space<hbm>> -> memref<125x80xi32, #tpu.memory_space<hbm>>
      %dma_wait3A_27 = arith.constant 0 : i32
      %dma_wait3A_28 = arith.constant 0 : i32
      %dma_wait3A_29 = tpu.memref_slice %arg4[%add3A, %dma_wait3A_27, %dma_wait3A_28] : memref<32x125x80xi32, #tpu.memory_space<hbm>> -> memref<1x125x80xi32, #tpu.memory_space<hbm>>
      %dma_wait3A_30 = tpu.memref_squeeze %dma_wait3A_29 : memref<1x125x80xi32, #tpu.memory_space<hbm>> -> memref<125x80xi32, #tpu.memory_space<hbm>>
      tpu.wait_dma2 semaphore(%run_scoped3A : memref<!tpu.dma_semaphore, #tpu.memory_space<semaphore_mem>>) src(%dma_wait3A_30 : memref<125x80xi32, #tpu.memory_space<hbm>>) dst(%arg8 : memref<125x80xi32, #tpu.memory_space<vmem>>)
      tpu.yield
    }) : () -> ()
    %barrier3A = arith.constant 0 : index
    tpu.barrier barrier_id(%barrier3A)
    %scan3A = arith.constant 0 : i32
    %scan3A_3 = arith.constant 0 : i32
    %scan3A_4 = arith.constant 125 : i32
    %scan3A_5 = arith.addi %scan3A_3, %scan3A_4 : i32
    %scan3A_6 = arith.constant 1 : i32
    %scan3A_7 = scf.for %scan3A_17 = %scan3A_3 to %scan3A_5 step %scan3A_6 iter_args(%scan3A_18 = %scan3A) -> (i32)  : i32 {
      %dma_start3A = arith.constant 0 : i32
      %dma_start3A_19 = tpu.memref_slice %arg7[%scan3A_17, %dma_start3A] : memref<125x80xi32, #tpu.memory_space<vmem>> -> memref<1x80xi32, #tpu.memory_space<vmem>>
      %dma_start3A_20 = tpu.memref_squeeze %dma_start3A_19 : memref<1x80xi32, #tpu.memory_space<vmem>> -> memref<80xi32, #tpu.memory_space<vmem>>
      %dma_start3A_21 = arith.constant 0 : i32
      %dma_start3A_22 = arith.constant 0 : i32
      %dma_start3A_23 = tpu.memref_slice %arg2[%dma_start3A_21, %dma_start3A_22] : memref<10000x128xf32, #tpu.memory_space<hbm>> -> memref<10000x128xf32, #tpu.memory_space<hbm>>
      tpu.enqueue_indirect_dma source(%dma_start3A_23 : memref<10000x128xf32, #tpu.memory_space<hbm>>) target(%arg9 : memref<80x128xf32, #tpu.memory_space<vmem>>) offsets(%dma_start3A_20 : memref<80xi32, #tpu.memory_space<vmem>>) semaphore(%arg11 : memref<!tpu.dma_semaphore, #tpu.memory_space<semaphore_mem>>)
      %dma_wait3A = arith.constant 0 : i32
      %dma_wait3A_24 = tpu.memref_slice %arg7[%scan3A_17, %dma_wait3A] : memref<125x80xi32, #tpu.memory_space<vmem>> -> memref<1x80xi32, #tpu.memory_space<vmem>>
      %dma_wait3A_25 = tpu.memref_squeeze %dma_wait3A_24 : memref<1x80xi32, #tpu.memory_space<vmem>> -> memref<80xi32, #tpu.memory_space<vmem>>
      %dma_wait3A_26 = arith.constant 0 : i32
      %dma_wait3A_27 = arith.constant 0 : i32
      %dma_wait3A_28 = tpu.memref_slice %arg2[%dma_wait3A_26, %dma_wait3A_27] : memref<10000x128xf32, #tpu.memory_space<hbm>> -> memref<10000x128xf32, #tpu.memory_space<hbm>>
      tpu.wait_indirect_dma semaphore(%arg11 : memref<!tpu.dma_semaphore, #tpu.memory_space<semaphore_mem>>) src(%dma_wait3A_28 : memref<10000x128xf32, #tpu.memory_space<hbm>>) dst(%arg9 : memref<80x128xf32, #tpu.memory_space<vmem>>)
      "tpu.region"() ({
        %run_scoped3A = tpu.sem_alloc : memref<!tpu.dma_semaphore, #tpu.memory_space<semaphore_mem>>
        %dma_start3A_30 = arith.constant 0 : i32
        %dma_start3A_31 = tpu.memref_slice %arg8[%scan3A_17, %dma_start3A_30] : memref<125x80xi32, #tpu.memory_space<vmem>> -> memref<1x80xi32, #tpu.memory_space<vmem>>
        %dma_start3A_32 = tpu.memref_squeeze %dma_start3A_31 : memref<1x80xi32, #tpu.memory_space<vmem>> -> memref<80xi32, #tpu.memory_space<vmem>>
        %dma_start3A_33 = arith.constant 0 : i32
        %dma_start3A_34 = arith.constant 0 : i32
        %dma_start3A_35 = tpu.memref_slice %arg10[%dma_start3A_33, %dma_start3A_34] : memref<10240x128xf32, #tpu.memory_space<vmem_shared>> -> memref<10240x128xf32, #tpu.memory_space<vmem_shared>>
        tpu.enqueue_indirect_dma source(%arg9 : memref<80x128xf32, #tpu.memory_space<vmem>>) target(%dma_start3A_35 : memref<10240x128xf32, #tpu.memory_space<vmem_shared>>) offsets(%dma_start3A_32 : memref<80xi32, #tpu.memory_space<vmem>>) semaphore(%run_scoped3A : memref<!tpu.dma_semaphore, #tpu.memory_space<semaphore_mem>>) {add = true}
        %dma_wait3A_36 = arith.constant 0 : i32
        %dma_wait3A_37 = tpu.memref_slice %arg8[%scan3A_17, %dma_wait3A_36] : memref<125x80xi32, #tpu.memory_space<vmem>> -> memref<1x80xi32, #tpu.memory_space<vmem>>
        %dma_wait3A_38 = tpu.memref_squeeze %dma_wait3A_37 : memref<1x80xi32, #tpu.memory_space<vmem>> -> memref<80xi32, #tpu.memory_space<vmem>>
        %dma_wait3A_39 = arith.constant 0 : i32
        %dma_wait3A_40 = arith.constant 0 : i32
        %dma_wait3A_41 = tpu.memref_slice %arg10[%dma_wait3A_39, %dma_wait3A_40] : memref<10240x128xf32, #tpu.memory_space<vmem_shared>> -> memref<10240x128xf32, #tpu.memory_space<vmem_shared>>
        tpu.wait_indirect_dma semaphore(%run_scoped3A : memref<!tpu.dma_semaphore, #tpu.memory_space<semaphore_mem>>) src(%arg9 : memref<80x128xf32, #tpu.memory_space<vmem>>) dst(%dma_wait3A_41 : memref<10240x128xf32, #tpu.memory_space<vmem_shared>>)
        tpu.yield
      }) : () -> ()
      %scan3A_29 = arith.constant 0 : i32
      scf.yield %scan3A_29 : i32
    }
    %scan3A_8 = arith.constant 125 : i32
    %barrier3A_9 = arith.constant 0 : index
    tpu.barrier barrier_id(%barrier3A_9)
    %mul3A_10 = arith.constant 640 : i32
    %mul3A_11 = arith.muli %arg1, %mul3A_10 : i32
    %mul3A_12 = arith.constant 10240 : i32
    %mul3A_13 = arith.muli %arg0, %mul3A_12 : i32
    %mul3A_14 = arith.constant 640 : i32
    %mul3A_15 = arith.muli %arg1, %mul3A_14 : i32
    %add3A_16 = arith.addi %mul3A_13, %mul3A_15 : i32
    "tpu.region"() ({
      %run_scoped3A = tpu.sem_alloc : memref<!tpu.dma_semaphore, #tpu.memory_space<semaphore_mem>>
      %dma_start3A = arith.constant 0 : i32
      %dma_start3A_17 = tpu.memref_slice %arg6[%add3A_16, %dma_start3A] : memref<20480x128xf32, #tpu.memory_space<hbm>> -> memref<640x128xf32, #tpu.memory_space<hbm>>
      %dma_start3A_18 = arith.constant 0 : i32
      %dma_start3A_19 = tpu.memref_slice %arg10[%mul3A_11, %dma_start3A_18] : memref<10240x128xf32, #tpu.memory_space<vmem_shared>> -> memref<640x128xf32, #tpu.memory_space<vmem_shared>>
      tpu.enqueue_dma source(%dma_start3A_19 : memref<640x128xf32, #tpu.memory_space<vmem_shared>>) target(%dma_start3A_17 : memref<640x128xf32, #tpu.memory_space<hbm>>) target_semaphore(%run_scoped3A : memref<!tpu.dma_semaphore, #tpu.memory_space<semaphore_mem>>)
      %dma_wait3A = arith.constant 0 : i32
      %dma_wait3A_20 = tpu.memref_slice %arg6[%add3A_16, %dma_wait3A] : memref<20480x128xf32, #tpu.memory_space<hbm>> -> memref<640x128xf32, #tpu.memory_space<hbm>>
      %dma_wait3A_21 = arith.constant 0 : i32
      %dma_wait3A_22 = tpu.memref_slice %arg10[%mul3A_11, %dma_wait3A_21] : memref<10240x128xf32, #tpu.memory_space<vmem_shared>> -> memref<640x128xf32, #tpu.memory_space<vmem_shared>>
      tpu.wait_dma2 semaphore(%run_scoped3A : memref<!tpu.dma_semaphore, #tpu.memory_space<semaphore_mem>>) src(%dma_wait3A_22 : memref<640x128xf32, #tpu.memory_space<vmem_shared>>) dst(%dma_wait3A_20 : memref<640x128xf32, #tpu.memory_space<hbm>>)
      tpu.yield
    }) : () -> ()
    return
  }
}

#map = affine_map<(d0, d1) -> (0, 0, 0)>
#map1 = affine_map<(d0, d1) -> (0, 0)>
module attributes {stable_mosaic.version = 14 : i64} {
  func.func @_sc_degree(%arg0: i32, %arg1: i32, %arg2: memref<32x125x80xi32, #tpu.memory_space<hbm>>, %arg3: memref<80x128xf32, #tpu.memory_space<hbm>>, %arg4: memref<640x128xf32, #tpu.memory_space<hbm>>, %arg5: memref<20480x128xf32, #tpu.memory_space<hbm>>, %arg6: memref<125x80xi32, #tpu.memory_space<vmem>>, %arg7: memref<80x128xf32, #tpu.memory_space<vmem>>, %arg8: memref<10240x128xf32, #tpu.memory_space<vmem_shared>>) attributes {dimension_semantics = [#tpu.dimension_semantics<core_parallel>, #tpu.dimension_semantics<subcore_parallel>], iteration_bounds = array<i64: 2, 16>, scalar_prefetch = 0 : i64, scratch_operands = 3 : i64, tpu.core_type = #tpu.core_type<sc_vector_subcore>, window_params = [{transform_indices = #map}, {transform_indices = #map1}, {transform_indices = #map1}, {transform_indices = #map1}]} {
    %mul3A = arith.constant 16 : i32
    %mul3A_0 = arith.muli %arg0, %mul3A : i32
    %add3A = arith.addi %mul3A_0, %arg1 : i32
    %mul3A_1 = arith.constant 640 : i32
    %mul3A_2 = arith.muli %arg1, %mul3A_1 : i32
    "tpu.region"() ({
      %run_scoped3A = tpu.sem_alloc : memref<!tpu.dma_semaphore, #tpu.memory_space<semaphore_mem>>
      %dma_start3A = arith.constant 0 : i32
      %dma_start3A_17 = tpu.memref_slice %arg8[%mul3A_2, %dma_start3A] : memref<10240x128xf32, #tpu.memory_space<vmem_shared>> -> memref<640x128xf32, #tpu.memory_space<vmem_shared>>
      tpu.enqueue_dma source(%arg4 : memref<640x128xf32, #tpu.memory_space<hbm>>) target(%dma_start3A_17 : memref<640x128xf32, #tpu.memory_space<vmem_shared>>) target_semaphore(%run_scoped3A : memref<!tpu.dma_semaphore, #tpu.memory_space<semaphore_mem>>)
      %dma_wait3A = arith.constant 0 : i32
      %dma_wait3A_18 = tpu.memref_slice %arg8[%mul3A_2, %dma_wait3A] : memref<10240x128xf32, #tpu.memory_space<vmem_shared>> -> memref<640x128xf32, #tpu.memory_space<vmem_shared>>
      tpu.wait_dma2 semaphore(%run_scoped3A : memref<!tpu.dma_semaphore, #tpu.memory_space<semaphore_mem>>) src(%arg4 : memref<640x128xf32, #tpu.memory_space<hbm>>) dst(%dma_wait3A_18 : memref<640x128xf32, #tpu.memory_space<vmem_shared>>)
      tpu.yield
    }) : () -> ()
    "tpu.region"() ({
      %run_scoped3A = tpu.sem_alloc : memref<!tpu.dma_semaphore, #tpu.memory_space<semaphore_mem>>
      tpu.enqueue_dma source(%arg3 : memref<80x128xf32, #tpu.memory_space<hbm>>) target(%arg7 : memref<80x128xf32, #tpu.memory_space<vmem>>) target_semaphore(%run_scoped3A : memref<!tpu.dma_semaphore, #tpu.memory_space<semaphore_mem>>)
      tpu.wait_dma2 semaphore(%run_scoped3A : memref<!tpu.dma_semaphore, #tpu.memory_space<semaphore_mem>>) src(%arg3 : memref<80x128xf32, #tpu.memory_space<hbm>>) dst(%arg7 : memref<80x128xf32, #tpu.memory_space<vmem>>)
      tpu.yield
    }) : () -> ()
    "tpu.region"() ({
      %run_scoped3A = tpu.sem_alloc : memref<!tpu.dma_semaphore, #tpu.memory_space<semaphore_mem>>
      %dma_start3A = arith.constant 0 : i32
      %dma_start3A_17 = arith.constant 0 : i32
      %dma_start3A_18 = tpu.memref_slice %arg2[%add3A, %dma_start3A, %dma_start3A_17] : memref<32x125x80xi32, #tpu.memory_space<hbm>> -> memref<1x125x80xi32, #tpu.memory_space<hbm>>
      %dma_start3A_19 = tpu.memref_squeeze %dma_start3A_18 : memref<1x125x80xi32, #tpu.memory_space<hbm>> -> memref<125x80xi32, #tpu.memory_space<hbm>>
      %dma_start3A_20 = arith.constant 0 : i32
      %dma_start3A_21 = arith.constant 0 : i32
      %dma_start3A_22 = tpu.memref_slice %arg2[%add3A, %dma_start3A_20, %dma_start3A_21] : memref<32x125x80xi32, #tpu.memory_space<hbm>> -> memref<1x125x80xi32, #tpu.memory_space<hbm>>
      %dma_start3A_23 = tpu.memref_squeeze %dma_start3A_22 : memref<1x125x80xi32, #tpu.memory_space<hbm>> -> memref<125x80xi32, #tpu.memory_space<hbm>>
      tpu.enqueue_dma source(%dma_start3A_23 : memref<125x80xi32, #tpu.memory_space<hbm>>) target(%arg6 : memref<125x80xi32, #tpu.memory_space<vmem>>) target_semaphore(%run_scoped3A : memref<!tpu.dma_semaphore, #tpu.memory_space<semaphore_mem>>)
      %dma_wait3A = arith.constant 0 : i32
      %dma_wait3A_24 = arith.constant 0 : i32
      %dma_wait3A_25 = tpu.memref_slice %arg2[%add3A, %dma_wait3A, %dma_wait3A_24] : memref<32x125x80xi32, #tpu.memory_space<hbm>> -> memref<1x125x80xi32, #tpu.memory_space<hbm>>
      %dma_wait3A_26 = tpu.memref_squeeze %dma_wait3A_25 : memref<1x125x80xi32, #tpu.memory_space<hbm>> -> memref<125x80xi32, #tpu.memory_space<hbm>>
      %dma_wait3A_27 = arith.constant 0 : i32
      %dma_wait3A_28 = arith.constant 0 : i32
      %dma_wait3A_29 = tpu.memref_slice %arg2[%add3A, %dma_wait3A_27, %dma_wait3A_28] : memref<32x125x80xi32, #tpu.memory_space<hbm>> -> memref<1x125x80xi32, #tpu.memory_space<hbm>>
      %dma_wait3A_30 = tpu.memref_squeeze %dma_wait3A_29 : memref<1x125x80xi32, #tpu.memory_space<hbm>> -> memref<125x80xi32, #tpu.memory_space<hbm>>
      tpu.wait_dma2 semaphore(%run_scoped3A : memref<!tpu.dma_semaphore, #tpu.memory_space<semaphore_mem>>) src(%dma_wait3A_30 : memref<125x80xi32, #tpu.memory_space<hbm>>) dst(%arg6 : memref<125x80xi32, #tpu.memory_space<vmem>>)
      tpu.yield
    }) : () -> ()
    %barrier3A = arith.constant 0 : index
    tpu.barrier barrier_id(%barrier3A)
    %scan3A = arith.constant 0 : i32
    %scan3A_3 = arith.constant 0 : i32
    %scan3A_4 = arith.constant 125 : i32
    %scan3A_5 = arith.addi %scan3A_3, %scan3A_4 : i32
    %scan3A_6 = arith.constant 1 : i32
    %scan3A_7 = scf.for %scan3A_17 = %scan3A_3 to %scan3A_5 step %scan3A_6 iter_args(%scan3A_18 = %scan3A) -> (i32)  : i32 {
      "tpu.region"() ({
        %run_scoped3A = tpu.sem_alloc : memref<!tpu.dma_semaphore, #tpu.memory_space<semaphore_mem>>
        %dma_start3A = arith.constant 0 : i32
        %dma_start3A_20 = tpu.memref_slice %arg6[%scan3A_17, %dma_start3A] : memref<125x80xi32, #tpu.memory_space<vmem>> -> memref<1x80xi32, #tpu.memory_space<vmem>>
        %dma_start3A_21 = tpu.memref_squeeze %dma_start3A_20 : memref<1x80xi32, #tpu.memory_space<vmem>> -> memref<80xi32, #tpu.memory_space<vmem>>
        %dma_start3A_22 = arith.constant 0 : i32
        %dma_start3A_23 = arith.constant 0 : i32
        %dma_start3A_24 = tpu.memref_slice %arg8[%dma_start3A_22, %dma_start3A_23] : memref<10240x128xf32, #tpu.memory_space<vmem_shared>> -> memref<10240x128xf32, #tpu.memory_space<vmem_shared>>
        tpu.enqueue_indirect_dma source(%arg7 : memref<80x128xf32, #tpu.memory_space<vmem>>) target(%dma_start3A_24 : memref<10240x128xf32, #tpu.memory_space<vmem_shared>>) offsets(%dma_start3A_21 : memref<80xi32, #tpu.memory_space<vmem>>) semaphore(%run_scoped3A : memref<!tpu.dma_semaphore, #tpu.memory_space<semaphore_mem>>) {add = true}
        %dma_wait3A = arith.constant 0 : i32
        %dma_wait3A_25 = tpu.memref_slice %arg6[%scan3A_17, %dma_wait3A] : memref<125x80xi32, #tpu.memory_space<vmem>> -> memref<1x80xi32, #tpu.memory_space<vmem>>
        %dma_wait3A_26 = tpu.memref_squeeze %dma_wait3A_25 : memref<1x80xi32, #tpu.memory_space<vmem>> -> memref<80xi32, #tpu.memory_space<vmem>>
        %dma_wait3A_27 = arith.constant 0 : i32
        %dma_wait3A_28 = arith.constant 0 : i32
        %dma_wait3A_29 = tpu.memref_slice %arg8[%dma_wait3A_27, %dma_wait3A_28] : memref<10240x128xf32, #tpu.memory_space<vmem_shared>> -> memref<10240x128xf32, #tpu.memory_space<vmem_shared>>
        tpu.wait_indirect_dma semaphore(%run_scoped3A : memref<!tpu.dma_semaphore, #tpu.memory_space<semaphore_mem>>) src(%arg7 : memref<80x128xf32, #tpu.memory_space<vmem>>) dst(%dma_wait3A_29 : memref<10240x128xf32, #tpu.memory_space<vmem_shared>>)
        tpu.yield
      }) : () -> ()
      %scan3A_19 = arith.constant 0 : i32
      scf.yield %scan3A_19 : i32
    }
    %scan3A_8 = arith.constant 125 : i32
    %barrier3A_9 = arith.constant 0 : index
    tpu.barrier barrier_id(%barrier3A_9)
    %mul3A_10 = arith.constant 640 : i32
    %mul3A_11 = arith.muli %arg1, %mul3A_10 : i32
    %mul3A_12 = arith.constant 10240 : i32
    %mul3A_13 = arith.muli %arg0, %mul3A_12 : i32
    %mul3A_14 = arith.constant 640 : i32
    %mul3A_15 = arith.muli %arg1, %mul3A_14 : i32
    %add3A_16 = arith.addi %mul3A_13, %mul3A_15 : i32
    "tpu.region"() ({
      %run_scoped3A = tpu.sem_alloc : memref<!tpu.dma_semaphore, #tpu.memory_space<semaphore_mem>>
      %dma_start3A = arith.constant 0 : i32
      %dma_start3A_17 = tpu.memref_slice %arg5[%add3A_16, %dma_start3A] : memref<20480x128xf32, #tpu.memory_space<hbm>> -> memref<640x128xf32, #tpu.memory_space<hbm>>
      %dma_start3A_18 = arith.constant 0 : i32
      %dma_start3A_19 = tpu.memref_slice %arg8[%mul3A_11, %dma_start3A_18] : memref<10240x128xf32, #tpu.memory_space<vmem_shared>> -> memref<640x128xf32, #tpu.memory_space<vmem_shared>>
      tpu.enqueue_dma source(%dma_start3A_19 : memref<640x128xf32, #tpu.memory_space<vmem_shared>>) target(%dma_start3A_17 : memref<640x128xf32, #tpu.memory_space<hbm>>) target_semaphore(%run_scoped3A : memref<!tpu.dma_semaphore, #tpu.memory_space<semaphore_mem>>)
      %dma_wait3A = arith.constant 0 : i32
      %dma_wait3A_20 = tpu.memref_slice %arg5[%add3A_16, %dma_wait3A] : memref<20480x128xf32, #tpu.memory_space<hbm>> -> memref<640x128xf32, #tpu.memory_space<hbm>>
      %dma_wait3A_21 = arith.constant 0 : i32
      %dma_wait3A_22 = tpu.memref_slice %arg8[%mul3A_11, %dma_wait3A_21] : memref<10240x128xf32, #tpu.memory_space<vmem_shared>> -> memref<640x128xf32, #tpu.memory_space<vmem_shared>>
      tpu.wait_dma2 semaphore(%run_scoped3A : memref<!tpu.dma_semaphore, #tpu.memory_space<semaphore_mem>>) src(%dma_wait3A_22 : memref<640x128xf32, #tpu.memory_space<vmem_shared>>) dst(%dma_wait3A_20 : memref<640x128xf32, #tpu.memory_space<hbm>>)
      tpu.yield
    }) : () -> ()
    return
  }
}

#map = affine_map<(d0, d1) -> (0, 0)>
#map1 = affine_map<(d0, d1) -> (0, 0, 0)>
module attributes {stable_mosaic.version = 14 : i64} {
  func.func @_sc_edge(%arg0: i32, %arg1: i32, %arg2: memref<10000x128xf32, #tpu.memory_space<hbm>>, %arg3: memref<32x125x80xi32, #tpu.memory_space<hbm>>, %arg4: memref<32x125x80xi32, #tpu.memory_space<hbm>>, %arg5: memref<640x128xf32, #tpu.memory_space<hbm>>, %arg6: memref<20480x128xf32, #tpu.memory_space<hbm>>, %arg7: memref<125x80xi32, #tpu.memory_space<vmem>>, %arg8: memref<125x80xi32, #tpu.memory_space<vmem>>, %arg9: memref<80x128xf32, #tpu.memory_space<vmem>>, %arg10: memref<10240x128xf32, #tpu.memory_space<vmem_shared>>, %arg11: memref<!tpu.dma_semaphore, #tpu.memory_space<semaphore_mem>>) attributes {dimension_semantics = [#tpu.dimension_semantics<core_parallel>, #tpu.dimension_semantics<subcore_parallel>], iteration_bounds = array<i64: 2, 16>, scalar_prefetch = 0 : i64, scratch_operands = 5 : i64, tpu.core_type = #tpu.core_type<sc_vector_subcore>, window_params = [{transform_indices = #map}, {transform_indices = #map1}, {transform_indices = #map1}, {transform_indices = #map}, {transform_indices = #map}]} {
    %mul3A = arith.constant 16 : i32
    %mul3A_0 = arith.muli %arg0, %mul3A : i32
    %add3A = arith.addi %mul3A_0, %arg1 : i32
    %mul3A_1 = arith.constant 640 : i32
    %mul3A_2 = arith.muli %arg1, %mul3A_1 : i32
    "tpu.region"() ({
      %run_scoped3A = tpu.sem_alloc : memref<!tpu.dma_semaphore, #tpu.memory_space<semaphore_mem>>
      %dma_start3A = arith.constant 0 : i32
      %dma_start3A_17 = tpu.memref_slice %arg10[%mul3A_2, %dma_start3A] : memref<10240x128xf32, #tpu.memory_space<vmem_shared>> -> memref<640x128xf32, #tpu.memory_space<vmem_shared>>
      tpu.enqueue_dma source(%arg5 : memref<640x128xf32, #tpu.memory_space<hbm>>) target(%dma_start3A_17 : memref<640x128xf32, #tpu.memory_space<vmem_shared>>) target_semaphore(%run_scoped3A : memref<!tpu.dma_semaphore, #tpu.memory_space<semaphore_mem>>)
      %dma_wait3A = arith.constant 0 : i32
      %dma_wait3A_18 = tpu.memref_slice %arg10[%mul3A_2, %dma_wait3A] : memref<10240x128xf32, #tpu.memory_space<vmem_shared>> -> memref<640x128xf32, #tpu.memory_space<vmem_shared>>
      tpu.wait_dma2 semaphore(%run_scoped3A : memref<!tpu.dma_semaphore, #tpu.memory_space<semaphore_mem>>) src(%arg5 : memref<640x128xf32, #tpu.memory_space<hbm>>) dst(%dma_wait3A_18 : memref<640x128xf32, #tpu.memory_space<vmem_shared>>)
      tpu.yield
    }) : () -> ()
    "tpu.region"() ({
      %run_scoped3A = tpu.sem_alloc : memref<!tpu.dma_semaphore, #tpu.memory_space<semaphore_mem>>
      %dma_start3A = arith.constant 0 : i32
      %dma_start3A_17 = arith.constant 0 : i32
      %dma_start3A_18 = tpu.memref_slice %arg3[%add3A, %dma_start3A, %dma_start3A_17] : memref<32x125x80xi32, #tpu.memory_space<hbm>> -> memref<1x125x80xi32, #tpu.memory_space<hbm>>
      %dma_start3A_19 = tpu.memref_squeeze %dma_start3A_18 : memref<1x125x80xi32, #tpu.memory_space<hbm>> -> memref<125x80xi32, #tpu.memory_space<hbm>>
      %dma_start3A_20 = arith.constant 0 : i32
      %dma_start3A_21 = arith.constant 0 : i32
      %dma_start3A_22 = tpu.memref_slice %arg3[%add3A, %dma_start3A_20, %dma_start3A_21] : memref<32x125x80xi32, #tpu.memory_space<hbm>> -> memref<1x125x80xi32, #tpu.memory_space<hbm>>
      %dma_start3A_23 = tpu.memref_squeeze %dma_start3A_22 : memref<1x125x80xi32, #tpu.memory_space<hbm>> -> memref<125x80xi32, #tpu.memory_space<hbm>>
      tpu.enqueue_dma source(%dma_start3A_23 : memref<125x80xi32, #tpu.memory_space<hbm>>) target(%arg7 : memref<125x80xi32, #tpu.memory_space<vmem>>) target_semaphore(%run_scoped3A : memref<!tpu.dma_semaphore, #tpu.memory_space<semaphore_mem>>)
      %dma_wait3A = arith.constant 0 : i32
      %dma_wait3A_24 = arith.constant 0 : i32
      %dma_wait3A_25 = tpu.memref_slice %arg3[%add3A, %dma_wait3A, %dma_wait3A_24] : memref<32x125x80xi32, #tpu.memory_space<hbm>> -> memref<1x125x80xi32, #tpu.memory_space<hbm>>
      %dma_wait3A_26 = tpu.memref_squeeze %dma_wait3A_25 : memref<1x125x80xi32, #tpu.memory_space<hbm>> -> memref<125x80xi32, #tpu.memory_space<hbm>>
      %dma_wait3A_27 = arith.constant 0 : i32
      %dma_wait3A_28 = arith.constant 0 : i32
      %dma_wait3A_29 = tpu.memref_slice %arg3[%add3A, %dma_wait3A_27, %dma_wait3A_28] : memref<32x125x80xi32, #tpu.memory_space<hbm>> -> memref<1x125x80xi32, #tpu.memory_space<hbm>>
      %dma_wait3A_30 = tpu.memref_squeeze %dma_wait3A_29 : memref<1x125x80xi32, #tpu.memory_space<hbm>> -> memref<125x80xi32, #tpu.memory_space<hbm>>
      tpu.wait_dma2 semaphore(%run_scoped3A : memref<!tpu.dma_semaphore, #tpu.memory_space<semaphore_mem>>) src(%dma_wait3A_30 : memref<125x80xi32, #tpu.memory_space<hbm>>) dst(%arg7 : memref<125x80xi32, #tpu.memory_space<vmem>>)
      tpu.yield
    }) : () -> ()
    "tpu.region"() ({
      %run_scoped3A = tpu.sem_alloc : memref<!tpu.dma_semaphore, #tpu.memory_space<semaphore_mem>>
      %dma_start3A = arith.constant 0 : i32
      %dma_start3A_17 = arith.constant 0 : i32
      %dma_start3A_18 = tpu.memref_slice %arg4[%add3A, %dma_start3A, %dma_start3A_17] : memref<32x125x80xi32, #tpu.memory_space<hbm>> -> memref<1x125x80xi32, #tpu.memory_space<hbm>>
      %dma_start3A_19 = tpu.memref_squeeze %dma_start3A_18 : memref<1x125x80xi32, #tpu.memory_space<hbm>> -> memref<125x80xi32, #tpu.memory_space<hbm>>
      %dma_start3A_20 = arith.constant 0 : i32
      %dma_start3A_21 = arith.constant 0 : i32
      %dma_start3A_22 = tpu.memref_slice %arg4[%add3A, %dma_start3A_20, %dma_start3A_21] : memref<32x125x80xi32, #tpu.memory_space<hbm>> -> memref<1x125x80xi32, #tpu.memory_space<hbm>>
      %dma_start3A_23 = tpu.memref_squeeze %dma_start3A_22 : memref<1x125x80xi32, #tpu.memory_space<hbm>> -> memref<125x80xi32, #tpu.memory_space<hbm>>
      tpu.enqueue_dma source(%dma_start3A_23 : memref<125x80xi32, #tpu.memory_space<hbm>>) target(%arg8 : memref<125x80xi32, #tpu.memory_space<vmem>>) target_semaphore(%run_scoped3A : memref<!tpu.dma_semaphore, #tpu.memory_space<semaphore_mem>>)
      %dma_wait3A = arith.constant 0 : i32
      %dma_wait3A_24 = arith.constant 0 : i32
      %dma_wait3A_25 = tpu.memref_slice %arg4[%add3A, %dma_wait3A, %dma_wait3A_24] : memref<32x125x80xi32, #tpu.memory_space<hbm>> -> memref<1x125x80xi32, #tpu.memory_space<hbm>>
      %dma_wait3A_26 = tpu.memref_squeeze %dma_wait3A_25 : memref<1x125x80xi32, #tpu.memory_space<hbm>> -> memref<125x80xi32, #tpu.memory_space<hbm>>
      %dma_wait3A_27 = arith.constant 0 : i32
      %dma_wait3A_28 = arith.constant 0 : i32
      %dma_wait3A_29 = tpu.memref_slice %arg4[%add3A, %dma_wait3A_27, %dma_wait3A_28] : memref<32x125x80xi32, #tpu.memory_space<hbm>> -> memref<1x125x80xi32, #tpu.memory_space<hbm>>
      %dma_wait3A_30 = tpu.memref_squeeze %dma_wait3A_29 : memref<1x125x80xi32, #tpu.memory_space<hbm>> -> memref<125x80xi32, #tpu.memory_space<hbm>>
      tpu.wait_dma2 semaphore(%run_scoped3A : memref<!tpu.dma_semaphore, #tpu.memory_space<semaphore_mem>>) src(%dma_wait3A_30 : memref<125x80xi32, #tpu.memory_space<hbm>>) dst(%arg8 : memref<125x80xi32, #tpu.memory_space<vmem>>)
      tpu.yield
    }) : () -> ()
    %barrier3A = arith.constant 0 : index
    tpu.barrier barrier_id(%barrier3A)
    %scan3A = arith.constant 0 : i32
    %scan3A_3 = arith.constant 0 : i32
    %scan3A_4 = arith.constant 125 : i32
    %scan3A_5 = arith.addi %scan3A_3, %scan3A_4 : i32
    %scan3A_6 = arith.constant 1 : i32
    %scan3A_7 = scf.for %scan3A_17 = %scan3A_3 to %scan3A_5 step %scan3A_6 iter_args(%scan3A_18 = %scan3A) -> (i32)  : i32 {
      %dma_start3A = arith.constant 0 : i32
      %dma_start3A_19 = tpu.memref_slice %arg7[%scan3A_17, %dma_start3A] : memref<125x80xi32, #tpu.memory_space<vmem>> -> memref<1x80xi32, #tpu.memory_space<vmem>>
      %dma_start3A_20 = tpu.memref_squeeze %dma_start3A_19 : memref<1x80xi32, #tpu.memory_space<vmem>> -> memref<80xi32, #tpu.memory_space<vmem>>
      %dma_start3A_21 = arith.constant 0 : i32
      %dma_start3A_22 = arith.constant 0 : i32
      %dma_start3A_23 = tpu.memref_slice %arg2[%dma_start3A_21, %dma_start3A_22] : memref<10000x128xf32, #tpu.memory_space<hbm>> -> memref<10000x128xf32, #tpu.memory_space<hbm>>
      tpu.enqueue_indirect_dma source(%dma_start3A_23 : memref<10000x128xf32, #tpu.memory_space<hbm>>) target(%arg9 : memref<80x128xf32, #tpu.memory_space<vmem>>) offsets(%dma_start3A_20 : memref<80xi32, #tpu.memory_space<vmem>>) semaphore(%arg11 : memref<!tpu.dma_semaphore, #tpu.memory_space<semaphore_mem>>)
      %dma_wait3A = arith.constant 0 : i32
      %dma_wait3A_24 = tpu.memref_slice %arg7[%scan3A_17, %dma_wait3A] : memref<125x80xi32, #tpu.memory_space<vmem>> -> memref<1x80xi32, #tpu.memory_space<vmem>>
      %dma_wait3A_25 = tpu.memref_squeeze %dma_wait3A_24 : memref<1x80xi32, #tpu.memory_space<vmem>> -> memref<80xi32, #tpu.memory_space<vmem>>
      %dma_wait3A_26 = arith.constant 0 : i32
      %dma_wait3A_27 = arith.constant 0 : i32
      %dma_wait3A_28 = tpu.memref_slice %arg2[%dma_wait3A_26, %dma_wait3A_27] : memref<10000x128xf32, #tpu.memory_space<hbm>> -> memref<10000x128xf32, #tpu.memory_space<hbm>>
      tpu.wait_indirect_dma semaphore(%arg11 : memref<!tpu.dma_semaphore, #tpu.memory_space<semaphore_mem>>) src(%dma_wait3A_28 : memref<10000x128xf32, #tpu.memory_space<hbm>>) dst(%arg9 : memref<80x128xf32, #tpu.memory_space<vmem>>)
      "tpu.region"() ({
        %run_scoped3A = tpu.sem_alloc : memref<!tpu.dma_semaphore, #tpu.memory_space<semaphore_mem>>
        %dma_start3A_30 = arith.constant 0 : i32
        %dma_start3A_31 = tpu.memref_slice %arg8[%scan3A_17, %dma_start3A_30] : memref<125x80xi32, #tpu.memory_space<vmem>> -> memref<1x80xi32, #tpu.memory_space<vmem>>
        %dma_start3A_32 = tpu.memref_squeeze %dma_start3A_31 : memref<1x80xi32, #tpu.memory_space<vmem>> -> memref<80xi32, #tpu.memory_space<vmem>>
        %dma_start3A_33 = arith.constant 0 : i32
        %dma_start3A_34 = arith.constant 0 : i32
        %dma_start3A_35 = tpu.memref_slice %arg10[%dma_start3A_33, %dma_start3A_34] : memref<10240x128xf32, #tpu.memory_space<vmem_shared>> -> memref<10240x128xf32, #tpu.memory_space<vmem_shared>>
        tpu.enqueue_indirect_dma source(%arg9 : memref<80x128xf32, #tpu.memory_space<vmem>>) target(%dma_start3A_35 : memref<10240x128xf32, #tpu.memory_space<vmem_shared>>) offsets(%dma_start3A_32 : memref<80xi32, #tpu.memory_space<vmem>>) semaphore(%run_scoped3A : memref<!tpu.dma_semaphore, #tpu.memory_space<semaphore_mem>>) {add = true}
        %dma_wait3A_36 = arith.constant 0 : i32
        %dma_wait3A_37 = tpu.memref_slice %arg8[%scan3A_17, %dma_wait3A_36] : memref<125x80xi32, #tpu.memory_space<vmem>> -> memref<1x80xi32, #tpu.memory_space<vmem>>
        %dma_wait3A_38 = tpu.memref_squeeze %dma_wait3A_37 : memref<1x80xi32, #tpu.memory_space<vmem>> -> memref<80xi32, #tpu.memory_space<vmem>>
        %dma_wait3A_39 = arith.constant 0 : i32
        %dma_wait3A_40 = arith.constant 0 : i32
        %dma_wait3A_41 = tpu.memref_slice %arg10[%dma_wait3A_39, %dma_wait3A_40] : memref<10240x128xf32, #tpu.memory_space<vmem_shared>> -> memref<10240x128xf32, #tpu.memory_space<vmem_shared>>
        tpu.wait_indirect_dma semaphore(%run_scoped3A : memref<!tpu.dma_semaphore, #tpu.memory_space<semaphore_mem>>) src(%arg9 : memref<80x128xf32, #tpu.memory_space<vmem>>) dst(%dma_wait3A_41 : memref<10240x128xf32, #tpu.memory_space<vmem_shared>>)
        tpu.yield
      }) : () -> ()
      %scan3A_29 = arith.constant 0 : i32
      scf.yield %scan3A_29 : i32
    }
    %scan3A_8 = arith.constant 125 : i32
    %barrier3A_9 = arith.constant 0 : index
    tpu.barrier barrier_id(%barrier3A_9)
    %mul3A_10 = arith.constant 640 : i32
    %mul3A_11 = arith.muli %arg1, %mul3A_10 : i32
    %mul3A_12 = arith.constant 10240 : i32
    %mul3A_13 = arith.muli %arg0, %mul3A_12 : i32
    %mul3A_14 = arith.constant 640 : i32
    %mul3A_15 = arith.muli %arg1, %mul3A_14 : i32
    %add3A_16 = arith.addi %mul3A_13, %mul3A_15 : i32
    "tpu.region"() ({
      %run_scoped3A = tpu.sem_alloc : memref<!tpu.dma_semaphore, #tpu.memory_space<semaphore_mem>>
      %dma_start3A = arith.constant 0 : i32
      %dma_start3A_17 = tpu.memref_slice %arg6[%add3A_16, %dma_start3A] : memref<20480x128xf32, #tpu.memory_space<hbm>> -> memref<640x128xf32, #tpu.memory_space<hbm>>
      %dma_start3A_18 = arith.constant 0 : i32
      %dma_start3A_19 = tpu.memref_slice %arg10[%mul3A_11, %dma_start3A_18] : memref<10240x128xf32, #tpu.memory_space<vmem_shared>> -> memref<640x128xf32, #tpu.memory_space<vmem_shared>>
      tpu.enqueue_dma source(%dma_start3A_19 : memref<640x128xf32, #tpu.memory_space<vmem_shared>>) target(%dma_start3A_17 : memref<640x128xf32, #tpu.memory_space<hbm>>) target_semaphore(%run_scoped3A : memref<!tpu.dma_semaphore, #tpu.memory_space<semaphore_mem>>)
      %dma_wait3A = arith.constant 0 : i32
      %dma_wait3A_20 = tpu.memref_slice %arg6[%add3A_16, %dma_wait3A] : memref<20480x128xf32, #tpu.memory_space<hbm>> -> memref<640x128xf32, #tpu.memory_space<hbm>>
      %dma_wait3A_21 = arith.constant 0 : i32
      %dma_wait3A_22 = tpu.memref_slice %arg10[%mul3A_11, %dma_wait3A_21] : memref<10240x128xf32, #tpu.memory_space<vmem_shared>> -> memref<640x128xf32, #tpu.memory_space<vmem_shared>>
      tpu.wait_dma2 semaphore(%run_scoped3A : memref<!tpu.dma_semaphore, #tpu.memory_space<semaphore_mem>>) src(%dma_wait3A_22 : memref<640x128xf32, #tpu.memory_space<vmem_shared>>) dst(%dma_wait3A_20 : memref<640x128xf32, #tpu.memory_space<hbm>>)
      tpu.yield
    }) : () -> ()
    return
  }
}

#map = affine_map<(d0, d1) -> (0, 0)>
#map1 = affine_map<(d0, d1) -> (0, 0, 0)>
module attributes {stable_mosaic.version = 14 : i64} {
  func.func @_sc_edge(%arg0: i32, %arg1: i32, %arg2: memref<10000x128xf32, #tpu.memory_space<hbm>>, %arg3: memref<32x125x80xi32, #tpu.memory_space<hbm>>, %arg4: memref<32x125x80xi32, #tpu.memory_space<hbm>>, %arg5: memref<640x128xf32, #tpu.memory_space<hbm>>, %arg6: memref<20480x128xf32, #tpu.memory_space<hbm>>, %arg7: memref<125x80xi32, #tpu.memory_space<vmem>>, %arg8: memref<125x80xi32, #tpu.memory_space<vmem>>, %arg9: memref<80x128xf32, #tpu.memory_space<vmem>>, %arg10: memref<10240x128xf32, #tpu.memory_space<vmem_shared>>, %arg11: memref<!tpu.dma_semaphore, #tpu.memory_space<semaphore_mem>>) attributes {dimension_semantics = [#tpu.dimension_semantics<core_parallel>, #tpu.dimension_semantics<subcore_parallel>], iteration_bounds = array<i64: 2, 16>, scalar_prefetch = 0 : i64, scratch_operands = 5 : i64, tpu.core_type = #tpu.core_type<sc_vector_subcore>, window_params = [{transform_indices = #map}, {transform_indices = #map1}, {transform_indices = #map1}, {transform_indices = #map}, {transform_indices = #map}]} {
    %mul3A = arith.constant 16 : i32
    %mul3A_0 = arith.muli %arg0, %mul3A : i32
    %add3A = arith.addi %mul3A_0, %arg1 : i32
    %mul3A_1 = arith.constant 640 : i32
    %mul3A_2 = arith.muli %arg1, %mul3A_1 : i32
    "tpu.region"() ({
      %run_scoped3A = tpu.sem_alloc : memref<!tpu.dma_semaphore, #tpu.memory_space<semaphore_mem>>
      %dma_start3A = arith.constant 0 : i32
      %dma_start3A_17 = tpu.memref_slice %arg10[%mul3A_2, %dma_start3A] : memref<10240x128xf32, #tpu.memory_space<vmem_shared>> -> memref<640x128xf32, #tpu.memory_space<vmem_shared>>
      tpu.enqueue_dma source(%arg5 : memref<640x128xf32, #tpu.memory_space<hbm>>) target(%dma_start3A_17 : memref<640x128xf32, #tpu.memory_space<vmem_shared>>) target_semaphore(%run_scoped3A : memref<!tpu.dma_semaphore, #tpu.memory_space<semaphore_mem>>)
      %dma_wait3A = arith.constant 0 : i32
      %dma_wait3A_18 = tpu.memref_slice %arg10[%mul3A_2, %dma_wait3A] : memref<10240x128xf32, #tpu.memory_space<vmem_shared>> -> memref<640x128xf32, #tpu.memory_space<vmem_shared>>
      tpu.wait_dma2 semaphore(%run_scoped3A : memref<!tpu.dma_semaphore, #tpu.memory_space<semaphore_mem>>) src(%arg5 : memref<640x128xf32, #tpu.memory_space<hbm>>) dst(%dma_wait3A_18 : memref<640x128xf32, #tpu.memory_space<vmem_shared>>)
      tpu.yield
    }) : () -> ()
    "tpu.region"() ({
      %run_scoped3A = tpu.sem_alloc : memref<!tpu.dma_semaphore, #tpu.memory_space<semaphore_mem>>
      %dma_start3A = arith.constant 0 : i32
      %dma_start3A_17 = arith.constant 0 : i32
      %dma_start3A_18 = tpu.memref_slice %arg3[%add3A, %dma_start3A, %dma_start3A_17] : memref<32x125x80xi32, #tpu.memory_space<hbm>> -> memref<1x125x80xi32, #tpu.memory_space<hbm>>
      %dma_start3A_19 = tpu.memref_squeeze %dma_start3A_18 : memref<1x125x80xi32, #tpu.memory_space<hbm>> -> memref<125x80xi32, #tpu.memory_space<hbm>>
      %dma_start3A_20 = arith.constant 0 : i32
      %dma_start3A_21 = arith.constant 0 : i32
      %dma_start3A_22 = tpu.memref_slice %arg3[%add3A, %dma_start3A_20, %dma_start3A_21] : memref<32x125x80xi32, #tpu.memory_space<hbm>> -> memref<1x125x80xi32, #tpu.memory_space<hbm>>
      %dma_start3A_23 = tpu.memref_squeeze %dma_start3A_22 : memref<1x125x80xi32, #tpu.memory_space<hbm>> -> memref<125x80xi32, #tpu.memory_space<hbm>>
      tpu.enqueue_dma source(%dma_start3A_23 : memref<125x80xi32, #tpu.memory_space<hbm>>) target(%arg7 : memref<125x80xi32, #tpu.memory_space<vmem>>) target_semaphore(%run_scoped3A : memref<!tpu.dma_semaphore, #tpu.memory_space<semaphore_mem>>)
      %dma_wait3A = arith.constant 0 : i32
      %dma_wait3A_24 = arith.constant 0 : i32
      %dma_wait3A_25 = tpu.memref_slice %arg3[%add3A, %dma_wait3A, %dma_wait3A_24] : memref<32x125x80xi32, #tpu.memory_space<hbm>> -> memref<1x125x80xi32, #tpu.memory_space<hbm>>
      %dma_wait3A_26 = tpu.memref_squeeze %dma_wait3A_25 : memref<1x125x80xi32, #tpu.memory_space<hbm>> -> memref<125x80xi32, #tpu.memory_space<hbm>>
      %dma_wait3A_27 = arith.constant 0 : i32
      %dma_wait3A_28 = arith.constant 0 : i32
      %dma_wait3A_29 = tpu.memref_slice %arg3[%add3A, %dma_wait3A_27, %dma_wait3A_28] : memref<32x125x80xi32, #tpu.memory_space<hbm>> -> memref<1x125x80xi32, #tpu.memory_space<hbm>>
      %dma_wait3A_30 = tpu.memref_squeeze %dma_wait3A_29 : memref<1x125x80xi32, #tpu.memory_space<hbm>> -> memref<125x80xi32, #tpu.memory_space<hbm>>
      tpu.wait_dma2 semaphore(%run_scoped3A : memref<!tpu.dma_semaphore, #tpu.memory_space<semaphore_mem>>) src(%dma_wait3A_30 : memref<125x80xi32, #tpu.memory_space<hbm>>) dst(%arg7 : memref<125x80xi32, #tpu.memory_space<vmem>>)
      tpu.yield
    }) : () -> ()
    "tpu.region"() ({
      %run_scoped3A = tpu.sem_alloc : memref<!tpu.dma_semaphore, #tpu.memory_space<semaphore_mem>>
      %dma_start3A = arith.constant 0 : i32
      %dma_start3A_17 = arith.constant 0 : i32
      %dma_start3A_18 = tpu.memref_slice %arg4[%add3A, %dma_start3A, %dma_start3A_17] : memref<32x125x80xi32, #tpu.memory_space<hbm>> -> memref<1x125x80xi32, #tpu.memory_space<hbm>>
      %dma_start3A_19 = tpu.memref_squeeze %dma_start3A_18 : memref<1x125x80xi32, #tpu.memory_space<hbm>> -> memref<125x80xi32, #tpu.memory_space<hbm>>
      %dma_start3A_20 = arith.constant 0 : i32
      %dma_start3A_21 = arith.constant 0 : i32
      %dma_start3A_22 = tpu.memref_slice %arg4[%add3A, %dma_start3A_20, %dma_start3A_21] : memref<32x125x80xi32, #tpu.memory_space<hbm>> -> memref<1x125x80xi32, #tpu.memory_space<hbm>>
      %dma_start3A_23 = tpu.memref_squeeze %dma_start3A_22 : memref<1x125x80xi32, #tpu.memory_space<hbm>> -> memref<125x80xi32, #tpu.memory_space<hbm>>
      tpu.enqueue_dma source(%dma_start3A_23 : memref<125x80xi32, #tpu.memory_space<hbm>>) target(%arg8 : memref<125x80xi32, #tpu.memory_space<vmem>>) target_semaphore(%run_scoped3A : memref<!tpu.dma_semaphore, #tpu.memory_space<semaphore_mem>>)
      %dma_wait3A = arith.constant 0 : i32
      %dma_wait3A_24 = arith.constant 0 : i32
      %dma_wait3A_25 = tpu.memref_slice %arg4[%add3A, %dma_wait3A, %dma_wait3A_24] : memref<32x125x80xi32, #tpu.memory_space<hbm>> -> memref<1x125x80xi32, #tpu.memory_space<hbm>>
      %dma_wait3A_26 = tpu.memref_squeeze %dma_wait3A_25 : memref<1x125x80xi32, #tpu.memory_space<hbm>> -> memref<125x80xi32, #tpu.memory_space<hbm>>
      %dma_wait3A_27 = arith.constant 0 : i32
      %dma_wait3A_28 = arith.constant 0 : i32
      %dma_wait3A_29 = tpu.memref_slice %arg4[%add3A, %dma_wait3A_27, %dma_wait3A_28] : memref<32x125x80xi32, #tpu.memory_space<hbm>> -> memref<1x125x80xi32, #tpu.memory_space<hbm>>
      %dma_wait3A_30 = tpu.memref_squeeze %dma_wait3A_29 : memref<1x125x80xi32, #tpu.memory_space<hbm>> -> memref<125x80xi32, #tpu.memory_space<hbm>>
      tpu.wait_dma2 semaphore(%run_scoped3A : memref<!tpu.dma_semaphore, #tpu.memory_space<semaphore_mem>>) src(%dma_wait3A_30 : memref<125x80xi32, #tpu.memory_space<hbm>>) dst(%arg8 : memref<125x80xi32, #tpu.memory_space<vmem>>)
      tpu.yield
    }) : () -> ()
    %barrier3A = arith.constant 0 : index
    tpu.barrier barrier_id(%barrier3A)
    %scan3A = arith.constant 0 : i32
    %scan3A_3 = arith.constant 0 : i32
    %scan3A_4 = arith.constant 125 : i32
    %scan3A_5 = arith.addi %scan3A_3, %scan3A_4 : i32
    %scan3A_6 = arith.constant 1 : i32
    %scan3A_7 = scf.for %scan3A_17 = %scan3A_3 to %scan3A_5 step %scan3A_6 iter_args(%scan3A_18 = %scan3A) -> (i32)  : i32 {
      %dma_start3A = arith.constant 0 : i32
      %dma_start3A_19 = tpu.memref_slice %arg7[%scan3A_17, %dma_start3A] : memref<125x80xi32, #tpu.memory_space<vmem>> -> memref<1x80xi32, #tpu.memory_space<vmem>>
      %dma_start3A_20 = tpu.memref_squeeze %dma_start3A_19 : memref<1x80xi32, #tpu.memory_space<vmem>> -> memref<80xi32, #tpu.memory_space<vmem>>
      %dma_start3A_21 = arith.constant 0 : i32
      %dma_start3A_22 = arith.constant 0 : i32
      %dma_start3A_23 = tpu.memref_slice %arg2[%dma_start3A_21, %dma_start3A_22] : memref<10000x128xf32, #tpu.memory_space<hbm>> -> memref<10000x128xf32, #tpu.memory_space<hbm>>
      tpu.enqueue_indirect_dma source(%dma_start3A_23 : memref<10000x128xf32, #tpu.memory_space<hbm>>) target(%arg9 : memref<80x128xf32, #tpu.memory_space<vmem>>) offsets(%dma_start3A_20 : memref<80xi32, #tpu.memory_space<vmem>>) semaphore(%arg11 : memref<!tpu.dma_semaphore, #tpu.memory_space<semaphore_mem>>)
      %dma_wait3A = arith.constant 0 : i32
      %dma_wait3A_24 = tpu.memref_slice %arg7[%scan3A_17, %dma_wait3A] : memref<125x80xi32, #tpu.memory_space<vmem>> -> memref<1x80xi32, #tpu.memory_space<vmem>>
      %dma_wait3A_25 = tpu.memref_squeeze %dma_wait3A_24 : memref<1x80xi32, #tpu.memory_space<vmem>> -> memref<80xi32, #tpu.memory_space<vmem>>
      %dma_wait3A_26 = arith.constant 0 : i32
      %dma_wait3A_27 = arith.constant 0 : i32
      %dma_wait3A_28 = tpu.memref_slice %arg2[%dma_wait3A_26, %dma_wait3A_27] : memref<10000x128xf32, #tpu.memory_space<hbm>> -> memref<10000x128xf32, #tpu.memory_space<hbm>>
      tpu.wait_indirect_dma semaphore(%arg11 : memref<!tpu.dma_semaphore, #tpu.memory_space<semaphore_mem>>) src(%dma_wait3A_28 : memref<10000x128xf32, #tpu.memory_space<hbm>>) dst(%arg9 : memref<80x128xf32, #tpu.memory_space<vmem>>)
      "tpu.region"() ({
        %run_scoped3A = tpu.sem_alloc : memref<!tpu.dma_semaphore, #tpu.memory_space<semaphore_mem>>
        %dma_start3A_30 = arith.constant 0 : i32
        %dma_start3A_31 = tpu.memref_slice %arg8[%scan3A_17, %dma_start3A_30] : memref<125x80xi32, #tpu.memory_space<vmem>> -> memref<1x80xi32, #tpu.memory_space<vmem>>
        %dma_start3A_32 = tpu.memref_squeeze %dma_start3A_31 : memref<1x80xi32, #tpu.memory_space<vmem>> -> memref<80xi32, #tpu.memory_space<vmem>>
        %dma_start3A_33 = arith.constant 0 : i32
        %dma_start3A_34 = arith.constant 0 : i32
        %dma_start3A_35 = tpu.memref_slice %arg10[%dma_start3A_33, %dma_start3A_34] : memref<10240x128xf32, #tpu.memory_space<vmem_shared>> -> memref<10240x128xf32, #tpu.memory_space<vmem_shared>>
        tpu.enqueue_indirect_dma source(%arg9 : memref<80x128xf32, #tpu.memory_space<vmem>>) target(%dma_start3A_35 : memref<10240x128xf32, #tpu.memory_space<vmem_shared>>) offsets(%dma_start3A_32 : memref<80xi32, #tpu.memory_space<vmem>>) semaphore(%run_scoped3A : memref<!tpu.dma_semaphore, #tpu.memory_space<semaphore_mem>>) {add = true}
        %dma_wait3A_36 = arith.constant 0 : i32
        %dma_wait3A_37 = tpu.memref_slice %arg8[%scan3A_17, %dma_wait3A_36] : memref<125x80xi32, #tpu.memory_space<vmem>> -> memref<1x80xi32, #tpu.memory_space<vmem>>
        %dma_wait3A_38 = tpu.memref_squeeze %dma_wait3A_37 : memref<1x80xi32, #tpu.memory_space<vmem>> -> memref<80xi32, #tpu.memory_space<vmem>>
        %dma_wait3A_39 = arith.constant 0 : i32
        %dma_wait3A_40 = arith.constant 0 : i32
        %dma_wait3A_41 = tpu.memref_slice %arg10[%dma_wait3A_39, %dma_wait3A_40] : memref<10240x128xf32, #tpu.memory_space<vmem_shared>> -> memref<10240x128xf32, #tpu.memory_space<vmem_shared>>
        tpu.wait_indirect_dma semaphore(%run_scoped3A : memref<!tpu.dma_semaphore, #tpu.memory_space<semaphore_mem>>) src(%arg9 : memref<80x128xf32, #tpu.memory_space<vmem>>) dst(%dma_wait3A_41 : memref<10240x128xf32, #tpu.memory_space<vmem_shared>>)
        tpu.yield
      }) : () -> ()
      %scan3A_29 = arith.constant 0 : i32
      scf.yield %scan3A_29 : i32
    }
    %scan3A_8 = arith.constant 125 : i32
    %barrier3A_9 = arith.constant 0 : index
    tpu.barrier barrier_id(%barrier3A_9)
    %mul3A_10 = arith.constant 640 : i32
    %mul3A_11 = arith.muli %arg1, %mul3A_10 : i32
    %mul3A_12 = arith.constant 10240 : i32
    %mul3A_13 = arith.muli %arg0, %mul3A_12 : i32
    %mul3A_14 = arith.constant 640 : i32
    %mul3A_15 = arith.muli %arg1, %mul3A_14 : i32
    %add3A_16 = arith.addi %mul3A_13, %mul3A_15 : i32
    "tpu.region"() ({
      %run_scoped3A = tpu.sem_alloc : memref<!tpu.dma_semaphore, #tpu.memory_space<semaphore_mem>>
      %dma_start3A = arith.constant 0 : i32
      %dma_start3A_17 = tpu.memref_slice %arg6[%add3A_16, %dma_start3A] : memref<20480x128xf32, #tpu.memory_space<hbm>> -> memref<640x128xf32, #tpu.memory_space<hbm>>
      %dma_start3A_18 = arith.constant 0 : i32
      %dma_start3A_19 = tpu.memref_slice %arg10[%mul3A_11, %dma_start3A_18] : memref<10240x128xf32, #tpu.memory_space<vmem_shared>> -> memref<640x128xf32, #tpu.memory_space<vmem_shared>>
      tpu.enqueue_dma source(%dma_start3A_19 : memref<640x128xf32, #tpu.memory_space<vmem_shared>>) target(%dma_start3A_17 : memref<640x128xf32, #tpu.memory_space<hbm>>) target_semaphore(%run_scoped3A : memref<!tpu.dma_semaphore, #tpu.memory_space<semaphore_mem>>)
      %dma_wait3A = arith.constant 0 : i32
      %dma_wait3A_20 = tpu.memref_slice %arg6[%add3A_16, %dma_wait3A] : memref<20480x128xf32, #tpu.memory_space<hbm>> -> memref<640x128xf32, #tpu.memory_space<hbm>>
      %dma_wait3A_21 = arith.constant 0 : i32
      %dma_wait3A_22 = tpu.memref_slice %arg10[%mul3A_11, %dma_wait3A_21] : memref<10240x128xf32, #tpu.memory_space<vmem_shared>> -> memref<640x128xf32, #tpu.memory_space<vmem_shared>>
      tpu.wait_dma2 semaphore(%run_scoped3A : memref<!tpu.dma_semaphore, #tpu.memory_space<semaphore_mem>>) src(%dma_wait3A_22 : memref<640x128xf32, #tpu.memory_space<vmem_shared>>) dst(%dma_wait3A_20 : memref<640x128xf32, #tpu.memory_space<hbm>>)
      tpu.yield
    }) : () -> ()
    return
  }
}

module attributes {stable_mosaic.version = 14 : i64} {
  func.func @_tc_pre_body(%arg0: memref<2x10240x128xf32, #tpu.memory_space<vmem>>, %arg1: memref<10000x128xf32, #tpu.memory_space<vmem>>, %arg2: memref<128x128xf32, #tpu.memory_space<vmem>>, %arg3: memref<10000x128xf32, #tpu.memory_space<vmem>>, %arg4: memref<10000x128xf32, #tpu.memory_space<vmem>>) attributes {dimension_semantics = [], scalar_prefetch = 0 : i64, scratch_operands = 0 : i64, tpu.core_type = #tpu.core_type<tc>} {
    %get3A = arith.constant 0 : index
    %get3A_0 = arith.constant 0 : index
    %get3A_1 = arith.constant 0 : index
    %get3A_2 = vector.load %arg0[%get3A, %get3A_0, %get3A_1] : memref<2x10240x128xf32, #tpu.memory_space<vmem>>, vector<1x10000x1xf32>
    %get3A_3 = vector.shape_cast %get3A_2 : vector<1x10000x1xf32> to vector<10000x1xf32>
    %get3A_4 = arith.constant 1 : index
    %get3A_5 = arith.constant 0 : index
    %get3A_6 = arith.constant 0 : index
    %get3A_7 = vector.load %arg0[%get3A_4, %get3A_5, %get3A_6] : memref<2x10240x128xf32, #tpu.memory_space<vmem>>, vector<1x10000x1xf32>
    %get3A_8 = vector.shape_cast %get3A_7 : vector<1x10000x1xf32> to vector<10000x1xf32>
    %add3A = arith.addf %get3A_3, %get3A_8 : vector<10000x1xf32>
    %add3A_9 = arith.constant 1.000000e+00 : f32
    %add3A_10 = vector.broadcast %add3A_9 : f32 to vector<10000x1xf32>
    %add3A_11 = arith.addf %add3A, %add3A_10 : vector<10000x1xf32>
    %rsqrt3A = math.rsqrt %add3A_11 : vector<10000x1xf32>
    %broadcast_in_dim3A = vector.shape_cast %rsqrt3A : vector<10000x1xf32> to vector<10000x1xf32>
    %broadcast_in_dim3A_12 = vector.broadcast %broadcast_in_dim3A : vector<10000x1xf32> to vector<10000x128xf32>
    %swap3A = arith.constant 0 : index
    %swap3A_13 = arith.constant 0 : index
    %swap3A_14 = vector.load %arg3[%swap3A, %swap3A_13] : memref<10000x128xf32, #tpu.memory_space<vmem>>, vector<10000x128xf32>
    tpu.vector_store %arg3[%swap3A, %swap3A_13], %broadcast_in_dim3A_12 {strides = array<i32>} : memref<10000x128xf32, #tpu.memory_space<vmem>>, vector<10000x128xf32>,
    %get3A_15 = arith.constant 0 : index
    %get3A_16 = arith.constant 0 : index
    %get3A_17 = vector.load %arg1[%get3A_15, %get3A_16] : memref<10000x128xf32, #tpu.memory_space<vmem>>, vector<10000x128xf32>
    %get3A_18 = arith.constant 0 : index
    %get3A_19 = arith.constant 0 : index
    %get3A_20 = vector.load %arg2[%get3A_18, %get3A_19] : memref<128x128xf32, #tpu.memory_space<vmem>>, vector<128x128xf32>
    %dot_general3A = arith.constant dense<0.000000e+00> : vector<10000x128xf32>
    %dot_general3A_21 = tpu.matmul %get3A_17, %get3A_20, %dot_general3A {dimension_numbers = #tpu.dot_dimension_numbers<[1], [0], [0], [1], [0, 0, 1, 1], [], []>, transpose_lhs_hint = false} : vector<10000x128xf32>, vector<128x128xf32>, vector<10000x128xf32> -> vector<10000x128xf32>
    %mul3A = arith.mulf %dot_general3A_21, %broadcast_in_dim3A_12 : vector<10000x128xf32>
    %swap3A_22 = arith.constant 0 : index
    %swap3A_23 = arith.constant 0 : index
    %swap3A_24 = vector.load %arg4[%swap3A_22, %swap3A_23] : memref<10000x128xf32, #tpu.memory_space<vmem>>, vector<10000x128xf32>
    tpu.vector_store %arg4[%swap3A_22, %swap3A_23], %mul3A {strides = array<i32>} : memref<10000x128xf32, #tpu.memory_space<vmem>>, vector<10000x128xf32>,
    return
  }
}

module attributes {stable_mosaic.version = 14 : i64} {
  func.func @_tc_mid_body(%arg0: memref<2x10240x128xf32, #tpu.memory_space<vmem>>, %arg1: memref<10000x128xf32, #tpu.memory_space<vmem>>, %arg2: memref<10000x128xf32, #tpu.memory_space<vmem>>, %arg3: memref<1x128xf32, #tpu.memory_space<vmem>>, %arg4: memref<1x128xf32, #tpu.memory_space<vmem>>, %arg5: memref<1x128xf32, #tpu.memory_space<vmem>>, %arg6: memref<128x128xf32, #tpu.memory_space<vmem>>, %arg7: memref<10000x128xf32, #tpu.memory_space<vmem>>) attributes {dimension_semantics = [], scalar_prefetch = 0 : i64, scratch_operands = 0 : i64, tpu.core_type = #tpu.core_type<tc>} {
    %get3A = arith.constant 0 : index
    %get3A_0 = arith.constant 0 : index
    %get3A_1 = vector.load %arg2[%get3A, %get3A_0] : memref<10000x128xf32, #tpu.memory_space<vmem>>, vector<10000x128xf32>
    %get3A_2 = arith.constant 0 : index
    %get3A_3 = arith.constant 0 : index
    %get3A_4 = arith.constant 0 : index
    %get3A_5 = vector.load %arg0[%get3A_2, %get3A_3, %get3A_4] : memref<2x10240x128xf32, #tpu.memory_space<vmem>>, vector<1x10000x128xf32>
    %get3A_6 = vector.shape_cast %get3A_5 : vector<1x10000x128xf32> to vector<10000x128xf32>
    %get3A_7 = arith.constant 1 : index
    %get3A_8 = arith.constant 0 : index
    %get3A_9 = arith.constant 0 : index
    %get3A_10 = vector.load %arg0[%get3A_7, %get3A_8, %get3A_9] : memref<2x10240x128xf32, #tpu.memory_space<vmem>>, vector<1x10000x128xf32>
    %get3A_11 = vector.shape_cast %get3A_10 : vector<1x10000x128xf32> to vector<10000x128xf32>
    %add3A = arith.addf %get3A_6, %get3A_11 : vector<10000x128xf32>
    %get3A_12 = arith.constant 0 : index
    %get3A_13 = arith.constant 0 : index
    %get3A_14 = vector.load %arg1[%get3A_12, %get3A_13] : memref<10000x128xf32, #tpu.memory_space<vmem>>, vector<10000x128xf32>
    %add3A_15 = arith.addf %add3A, %get3A_14 : vector<10000x128xf32>
    %mul3A = arith.mulf %get3A_1, %add3A_15 : vector<10000x128xf32>
    %get3A_16 = arith.constant 0 : index
    %get3A_17 = arith.constant 0 : index
    %get3A_18 = vector.load %arg3[%get3A_16, %get3A_17] : memref<1x128xf32, #tpu.memory_space<vmem>>, vector<1x128xf32>
    %add3A_19 = vector.broadcast %get3A_18 : vector<1x128xf32> to vector<10000x128xf32>
    %add3A_20 = arith.addf %mul3A, %add3A_19 : vector<10000x128xf32>
    %reduce_sum3A = arith.constant dense<0.000000e+00> : vector<128xf32>
    %reduce_sum3A_21 = vector.multi_reduction <add>, %add3A_20, %reduce_sum3A [0] : vector<10000x128xf32> to vector<128xf32>
    %broadcast_in_dim3A = vector.shape_cast %reduce_sum3A_21 : vector<128xf32> to vector<1x128xf32>
    %div3A = arith.constant 1.000000e+04 : f32
    %div3A_22 = vector.broadcast %div3A : f32 to vector<1x128xf32>
    %div3A_23 = arith.divf %broadcast_in_dim3A, %div3A_22 : vector<1x128xf32>
    %sub3A = vector.broadcast %div3A_23 : vector<1x128xf32> to vector<10000x128xf32>
    %sub3A_24 = arith.subf %add3A_20, %sub3A : vector<10000x128xf32>
    %integer_pow3A = arith.mulf %sub3A_24, %sub3A_24 : vector<10000x128xf32>
    %reduce_sum3A_25 = arith.constant dense<0.000000e+00> : vector<128xf32>
    %reduce_sum3A_26 = vector.multi_reduction <add>, %integer_pow3A, %reduce_sum3A_25 [0] : vector<10000x128xf32> to vector<128xf32>
    %broadcast_in_dim3A_27 = vector.shape_cast %reduce_sum3A_26 : vector<128xf32> to vector<1x128xf32>
    %div3A_28 = arith.constant 1.000000e+04 : f32
    %div3A_29 = vector.broadcast %div3A_28 : f32 to vector<1x128xf32>
    %div3A_30 = arith.divf %broadcast_in_dim3A_27, %div3A_29 : vector<1x128xf32>
    %sub3A_31 = vector.broadcast %div3A_23 : vector<1x128xf32> to vector<10000x128xf32>
    %sub3A_32 = arith.subf %add3A_20, %sub3A_31 : vector<10000x128xf32>
    %add3A_33 = arith.constant 9.99999974E-6 : f32
    %add3A_34 = vector.broadcast %add3A_33 : f32 to vector<1x128xf32>
    %add3A_35 = arith.addf %div3A_30, %add3A_34 : vector<1x128xf32>
    %rsqrt3A = math.rsqrt %add3A_35 : vector<1x128xf32>
    %mul3A_36 = vector.broadcast %rsqrt3A : vector<1x128xf32> to vector<10000x128xf32>
    %mul3A_37 = arith.mulf %sub3A_32, %mul3A_36 : vector<10000x128xf32>
    %get3A_38 = arith.constant 0 : index
    %get3A_39 = arith.constant 0 : index
    %get3A_40 = vector.load %arg4[%get3A_38, %get3A_39] : memref<1x128xf32, #tpu.memory_space<vmem>>, vector<1x128xf32>
    %mul3A_41 = vector.broadcast %get3A_40 : vector<1x128xf32> to vector<10000x128xf32>
    %mul3A_42 = arith.mulf %mul3A_37, %mul3A_41 : vector<10000x128xf32>
    %get3A_43 = arith.constant 0 : index
    %get3A_44 = arith.constant 0 : index
    %get3A_45 = vector.load %arg5[%get3A_43, %get3A_44] : memref<1x128xf32, #tpu.memory_space<vmem>>, vector<1x128xf32>
    %add3A_46 = vector.broadcast %get3A_45 : vector<1x128xf32> to vector<10000x128xf32>
    %add3A_47 = arith.addf %mul3A_42, %add3A_46 : vector<10000x128xf32>
    %max3A = arith.constant 0.000000e+00 : f32
    %max3A_48 = vector.broadcast %max3A : f32 to vector<10000x128xf32>
    %max3A_49 = arith.maximumf %add3A_47, %max3A_48 : vector<10000x128xf32>
    %get3A_50 = arith.constant 0 : index
    %get3A_51 = arith.constant 0 : index
    %get3A_52 = vector.load %arg6[%get3A_50, %get3A_51] : memref<128x128xf32, #tpu.memory_space<vmem>>, vector<128x128xf32>
    %dot_general3A = arith.constant dense<0.000000e+00> : vector<10000x128xf32>
    %dot_general3A_53 = tpu.matmul %max3A_49, %get3A_52, %dot_general3A {dimension_numbers = #tpu.dot_dimension_numbers<[1], [0], [0], [1], [0, 0, 1, 1], [], []>, transpose_lhs_hint = false} : vector<10000x128xf32>, vector<128x128xf32>, vector<10000x128xf32> -> vector<10000x128xf32>
    %mul3A_54 = arith.mulf %dot_general3A_53, %get3A_1 : vector<10000x128xf32>
    %swap3A = arith.constant 0 : index
    %swap3A_55 = arith.constant 0 : index
    %swap3A_56 = vector.load %arg7[%swap3A, %swap3A_55] : memref<10000x128xf32, #tpu.memory_space<vmem>>, vector<10000x128xf32>
    tpu.vector_store %arg7[%swap3A, %swap3A_55], %mul3A_54 {strides = array<i32>} : memref<10000x128xf32, #tpu.memory_space<vmem>>, vector<10000x128xf32>,
    return
  }
}

module attributes {stable_mosaic.version = 14 : i64} {
  func.func @_tc_final_body(%arg0: memref<2x10240x128xf32, #tpu.memory_space<vmem>>, %arg1: memref<10000x128xf32, #tpu.memory_space<vmem>>, %arg2: memref<10000x128xf32, #tpu.memory_space<vmem>>, %arg3: memref<1x128xf32, #tpu.memory_space<vmem>>, %arg4: memref<1x128xf32, #tpu.memory_space<vmem>>, %arg5: memref<1x128xf32, #tpu.memory_space<vmem>>, %arg6: memref<10000x1xi32, #tpu.memory_space<vmem>>, %arg7: memref<128x5xf32, #tpu.memory_space<vmem>>, %arg8: memref<1x5xf32, #tpu.memory_space<vmem>>, %arg9: memref<32x5xf32, #tpu.memory_space<vmem>>) attributes {dimension_semantics = [], scalar_prefetch = 0 : i64, scratch_operands = 0 : i64, tpu.core_type = #tpu.core_type<tc>} {
    %get3A = arith.constant 0 : index
    %get3A_0 = arith.constant 0 : index
    %get3A_1 = vector.load %arg2[%get3A, %get3A_0] : memref<10000x128xf32, #tpu.memory_space<vmem>>, vector<10000x128xf32>
    %get3A_2 = arith.constant 0 : index
    %get3A_3 = arith.constant 0 : index
    %get3A_4 = arith.constant 0 : index
    %get3A_5 = vector.load %arg0[%get3A_2, %get3A_3, %get3A_4] : memref<2x10240x128xf32, #tpu.memory_space<vmem>>, vector<1x10000x128xf32>
    %get3A_6 = vector.shape_cast %get3A_5 : vector<1x10000x128xf32> to vector<10000x128xf32>
    %get3A_7 = arith.constant 1 : index
    %get3A_8 = arith.constant 0 : index
    %get3A_9 = arith.constant 0 : index
    %get3A_10 = vector.load %arg0[%get3A_7, %get3A_8, %get3A_9] : memref<2x10240x128xf32, #tpu.memory_space<vmem>>, vector<1x10000x128xf32>
    %get3A_11 = vector.shape_cast %get3A_10 : vector<1x10000x128xf32> to vector<10000x128xf32>
    %add3A = arith.addf %get3A_6, %get3A_11 : vector<10000x128xf32>
    %get3A_12 = arith.constant 0 : index
    %get3A_13 = arith.constant 0 : index
    %get3A_14 = vector.load %arg1[%get3A_12, %get3A_13] : memref<10000x128xf32, #tpu.memory_space<vmem>>, vector<10000x128xf32>
    %add3A_15 = arith.addf %add3A, %get3A_14 : vector<10000x128xf32>
    %mul3A = arith.mulf %get3A_1, %add3A_15 : vector<10000x128xf32>
    %get3A_16 = arith.constant 0 : index
    %get3A_17 = arith.constant 0 : index
    %get3A_18 = vector.load %arg3[%get3A_16, %get3A_17] : memref<1x128xf32, #tpu.memory_space<vmem>>, vector<1x128xf32>
    %add3A_19 = vector.broadcast %get3A_18 : vector<1x128xf32> to vector<10000x128xf32>
    %add3A_20 = arith.addf %mul3A, %add3A_19 : vector<10000x128xf32>
    %reduce_sum3A = arith.constant dense<0.000000e+00> : vector<128xf32>
    %reduce_sum3A_21 = vector.multi_reduction <add>, %add3A_20, %reduce_sum3A [0] : vector<10000x128xf32> to vector<128xf32>
    %broadcast_in_dim3A = vector.shape_cast %reduce_sum3A_21 : vector<128xf32> to vector<1x128xf32>
    %div3A = arith.constant 1.000000e+04 : f32
    %div3A_22 = vector.broadcast %div3A : f32 to vector<1x128xf32>
    %div3A_23 = arith.divf %broadcast_in_dim3A, %div3A_22 : vector<1x128xf32>
    %sub3A = vector.broadcast %div3A_23 : vector<1x128xf32> to vector<10000x128xf32>
    %sub3A_24 = arith.subf %add3A_20, %sub3A : vector<10000x128xf32>
    %integer_pow3A = arith.mulf %sub3A_24, %sub3A_24 : vector<10000x128xf32>
    %reduce_sum3A_25 = arith.constant dense<0.000000e+00> : vector<128xf32>
    %reduce_sum3A_26 = vector.multi_reduction <add>, %integer_pow3A, %reduce_sum3A_25 [0] : vector<10000x128xf32> to vector<128xf32>
    %broadcast_in_dim3A_27 = vector.shape_cast %reduce_sum3A_26 : vector<128xf32> to vector<1x128xf32>
    %div3A_28 = arith.constant 1.000000e+04 : f32
    %div3A_29 = vector.broadcast %div3A_28 : f32 to vector<1x128xf32>
    %div3A_30 = arith.divf %broadcast_in_dim3A_27, %div3A_29 : vector<1x128xf32>
    %sub3A_31 = vector.broadcast %div3A_23 : vector<1x128xf32> to vector<10000x128xf32>
    %sub3A_32 = arith.subf %add3A_20, %sub3A_31 : vector<10000x128xf32>
    %add3A_33 = arith.constant 9.99999974E-6 : f32
    %add3A_34 = vector.broadcast %add3A_33 : f32 to vector<1x128xf32>
    %add3A_35 = arith.addf %div3A_30, %add3A_34 : vector<1x128xf32>
    %rsqrt3A = math.rsqrt %add3A_35 : vector<1x128xf32>
    %mul3A_36 = vector.broadcast %rsqrt3A : vector<1x128xf32> to vector<10000x128xf32>
    %mul3A_37 = arith.mulf %sub3A_32, %mul3A_36 : vector<10000x128xf32>
    %get3A_38 = arith.constant 0 : index
    %get3A_39 = arith.constant 0 : index
    %get3A_40 = vector.load %arg4[%get3A_38, %get3A_39] : memref<1x128xf32, #tpu.memory_space<vmem>>, vector<1x128xf32>
    %mul3A_41 = vector.broadcast %get3A_40 : vector<1x128xf32> to vector<10000x128xf32>
    %mul3A_42 = arith.mulf %mul3A_37, %mul3A_41 : vector<10000x128xf32>
    %get3A_43 = arith.constant 0 : index
    %get3A_44 = arith.constant 0 : index
    %get3A_45 = vector.load %arg5[%get3A_43, %get3A_44] : memref<1x128xf32, #tpu.memory_space<vmem>>, vector<1x128xf32>
    %add3A_46 = vector.broadcast %get3A_45 : vector<1x128xf32> to vector<10000x128xf32>
    %add3A_47 = arith.addf %mul3A_42, %add3A_46 : vector<10000x128xf32>
    %max3A = arith.constant 0.000000e+00 : f32
    %max3A_48 = vector.broadcast %max3A : f32 to vector<10000x128xf32>
    %max3A_49 = arith.maximumf %add3A_47, %max3A_48 : vector<10000x128xf32>
    %iota3A = tpu.iota {dimensions = array<i32: 1>} : vector<1x32xi32>
    %get3A_50 = arith.constant 0 : index
    %get3A_51 = arith.constant 0 : index
    %get3A_52 = vector.load %arg6[%get3A_50, %get3A_51] : memref<10000x1xi32, #tpu.memory_space<vmem>>, vector<10000x1xi32>
    %eq3A = vector.broadcast %get3A_52 : vector<10000x1xi32> to vector<10000x32xi32>
    %eq3A_53 = vector.broadcast %iota3A : vector<1x32xi32> to vector<10000x32xi32>
    %eq3A_54 = arith.cmpi eq, %eq3A, %eq3A_53 : vector<10000x32xi32>
    %convert_element_type3A = arith.extui %eq3A_54 : vector<10000x32xi1> to vector<10000x32xi32>
    %convert_element_type3A_55 = arith.sitofp %convert_element_type3A : vector<10000x32xi32> to vector<10000x32xf32>
    %dot_general3A = arith.constant dense<0.000000e+00> : vector<32x128xf32>
    %dot_general3A_56 = tpu.matmul %convert_element_type3A_55, %max3A_49, %dot_general3A {dimension_numbers = #tpu.dot_dimension_numbers<[0], [0], [1], [1], [0, 1, 1, 1], [], []>, transpose_lhs_hint = false} : vector<10000x32xf32>, vector<10000x128xf32>, vector<32x128xf32> -> vector<32x128xf32>
    %broadcast_in_dim3A_57 = arith.constant 1.000000e+00 : f32
    %broadcast_in_dim3A_58 = vector.broadcast %broadcast_in_dim3A_57 : f32 to vector<10000x1xf32>
    %dot_general3A_59 = arith.constant dense<0.000000e+00> : vector<32x1xf32>
    %dot_general3A_60 = tpu.matmul %convert_element_type3A_55, %broadcast_in_dim3A_58, %dot_general3A_59 {dimension_numbers = #tpu.dot_dimension_numbers<[0], [0], [1], [1], [0, 1, 1, 1], [], []>, transpose_lhs_hint = false} : vector<10000x32xf32>, vector<10000x1xf32>, vector<32x1xf32> -> vector<32x1xf32>
    %max3A_61 = arith.constant 1.000000e+00 : f32
    %max3A_62 = vector.broadcast %max3A_61 : f32 to vector<32x1xf32>
    %max3A_63 = arith.maximumf %dot_general3A_60, %max3A_62 : vector<32x1xf32>
    %div3A_64 = vector.broadcast %max3A_63 : vector<32x1xf32> to vector<32x128xf32>
    %div3A_65 = arith.divf %dot_general3A_56, %div3A_64 : vector<32x128xf32>
    %get3A_66 = arith.constant 0 : index
    %get3A_67 = arith.constant 0 : index
    %get3A_68 = vector.load %arg7[%get3A_66, %get3A_67] : memref<128x5xf32, #tpu.memory_space<vmem>>, vector<128x5xf32>
    %dot_general3A_69 = arith.constant dense<0.000000e+00> : vector<32x5xf32>
    %dot_general3A_70 = tpu.matmul %div3A_65, %get3A_68, %dot_general3A_69 {dimension_numbers = #tpu.dot_dimension_numbers<[1], [0], [0], [1], [0, 0, 1, 1], [], []>, transpose_lhs_hint = false} : vector<32x128xf32>, vector<128x5xf32>, vector<32x5xf32> -> vector<32x5xf32>
    %get3A_71 = arith.constant 0 : index
    %get3A_72 = arith.constant 0 : index
    %get3A_73 = vector.load %arg8[%get3A_71, %get3A_72] : memref<1x5xf32, #tpu.memory_space<vmem>>, vector<1x5xf32>
    %add3A_74 = vector.broadcast %get3A_73 : vector<1x5xf32> to vector<32x5xf32>
    %add3A_75 = arith.addf %dot_general3A_70, %add3A_74 : vector<32x5xf32>
    %swap3A = arith.constant 0 : index
    %swap3A_76 = arith.constant 0 : index
    %swap3A_77 = vector.load %arg9[%swap3A, %swap3A_76] : memref<32x5xf32, #tpu.memory_space<vmem>>, vector<32x5xf32>
    tpu.vector_store %arg9[%swap3A, %swap3A_76], %add3A_75 {strides = array<i32>} : memref<32x5xf32, #tpu.memory_space<vmem>>, vector<32x5xf32>,
    return
  }
}

</mosaic_0001>

<sc_bundles>
// kernel: kernel.10.cloned.1.call-start
scs
__scs_entry_jumppad:
0x0: {  	(pc) =	sbr.rel $0x88, $3  }
0x1: {  	(tag) =	ssettag $0x0;
	lr =	simm.s32 $0x1  }
0x2: {  	[smem:$0x3F90] =	sst lr;
	_ =	strace $0xD0000000  }
0x3: {  	_ = 	snop  }
0x4: {  	_ = 	snop  }
0x5: {  	_ = 	snop  }
0x6: {  	_ = 	snop  }
0x7: {  	_ = 	snop  }
__scs_overlays_trampoline_lowered:
0x8: {  	[smem:$0x3F9F] =	sst s0  }
0x9: {  	[smem:$0x3FA0] =	sst s1  }
0xa: {  	[smem:$0x3FA1] =	sst s2  }
0xb: {  	[smem:$0x3FA2] =	sst s3  }
0xc: {  	[smem:$0x3FA3] =	sst s4  }
0xd: {  	[smem:$0x3FA4] =	sst s5  }
0xe: {  	[smem:$0x3FA5] =	sst s6  }
0xf: {  	[smem:$0x3FA6] =	sst s7  }
0x10: {  	[smem:$0x3FA7] =	sst s8  }
0x11: {  	[smem:$0x3FA8] =	sst s9;
	s0 =	simm.s32 @!p0 $0x0  }
0x12: {  	s1 =	sld [smem:$0x3F8E];
	s0 =	simm.s32 @p0 $0x1  }
0x13: {  	[smem:$0x3FA9] =	sst s0;
	s0 =	simm.s32 @!p1 $0x0  }
0x14: {  	s2 =	sld [smem:$0x3F8D];
	s0 =	simm.s32 @p1 $0x1  }
0x15: {  	[smem:$0x3FAA] =	sst s0;
	s0 =	simm.s32 @!p2 $0x0  }
0x16: {  	s3 =	sld [smem:$0x3FDB];
	s0 =	simm.s32 @p2 $0x1  }
0x17: {  	s4 =	simm.s32 $0x1BF5;
	[smem:$0x3FAC] =	sst s0  }
0x18: {  	s0 =	sld [smem:$0x3F8F];
	_ =	swait.ge [sflag:s4], $0x0  }
0x19: {  	s7 =	sld [smem:$0x3F90]  }
0x1a: {  	s8 =	sadd.s32 $0xFFFFE003, lr  }
0x1b: {  	s9 =	sadd.s32 $0xFFFFFEF7, lr;
	s5 =	simm.s32 $0xFFFFFFFF;
	p2 =	slt.u32 s8, $0xFFFFF086  }
0x1c: {  	p1 =	slt.u32 s9, $0xF7A;
	s5 =	simm.s32 @!p2 $0x0  }
0x1d: {  	s5 =	simm.s32 @p1 $0x1;
	p0 =	seq.s32 s7, s2  }
0x1e: {  	s7 =	smul.u32 @!p0 $0xF7A, s2;
	p2 =	seq.s32 @!p0 s5, $0x0  }
0x1f: {  	s9 =	smul.u32 $0xF7A, s1;
	s8 =	simm.s32 @!p0 $0x1BF5;
	p2 =	por !p2, p0  }
0x20: {  	[sflag:s8] =	ssyncset.s32 @!p0 $0xFFFFF086;
	s6 =	sadd.s32 @!p0 s3, s7;
	s7 =	simm.s32 @!p0 $0x108  }
0x21: {  	s3 =	sadd.s32 s3, s9;
	s6 =	sadd.s32 @!p0 $0x88, s6;
	s7 =	simm.s32 @p2 $0x1082  }
0x22: {  	[simem:s7], [sflag:s8] =	dma.local @!p0 [hbm:s6], $0xF7A  }
0x23: {  	s9 =	sor.u32 $0xD0000000, s2;
	s6 =	simm.s32 $0x108;
	_ =	swait.ge @!p0 [sflag:s8], $0x0  }
0x24: {  	s3 =	sadd.s32 $0x88, s3;
	s6 =	simm.s32 @!p1 $0x1082;
	[sflag:s4] =	ssyncset.s32 $0xFFFFF086  }
0x25: {  	[simem:s6], [sflag:s4] =	dma.local [hbm:s3], $0xF7A  }
0x26: {  	[smem:$0x3F90] =	sst s1;
	(tag) =	ssettag s2;
	_ =	strace s9  }
0x27: {  	s1 =	sld [smem:$0x3FA0]  }
0x28: {  	s2 =	sld [smem:$0x3FA1]  }
0x29: {  	s4 =	sld [smem:$0x3FA3]  }
0x2a: {  	p0 =	seq.s32 s5, $0x0;
	s5 =	sld [smem:$0x3FA4]  }
0x2b: {  	s6 =	sld [smem:$0x3FA5]  }
0x2c: {  	s7 =	sld [smem:$0x3FA6]  }
0x2d: {  	s3 =	simm.s32 $0x108;
	s8 =	sld [smem:$0x3FA7]  }
0x2e: {  	s3 =	simm.s32 @!p0 $0x1082;
	s9 =	sld [smem:$0x3FA8]  }
0x2f: {  	lr =	sadd.s32 s0, s3;
	s0 =	sld [smem:$0x3F9F]  }
0x30: {  	s3 =	sld [smem:$0x3FA2]  }
0x31: {  	[smem:$0x3FAB] =	sst s10  }
0x32: {  	s10 =	sld [smem:$0x3FA9];
	_ =	sdelay $0x3  }
0x33: {  	p0 =	seq.s32 s10, $0x1;
	s10 =	sld [smem:$0x3FAB];
	_ =	sdelay $0x3  }
0x34: {  	[smem:$0x3FAB] =	sst s10  }
0x35: {  	s10 =	sld [smem:$0x3FAA];
	_ =	sdelay $0x3  }
0x36: {  	p1 =	seq.s32 s10, $0x1;
	s10 =	sld [smem:$0x3FAB];
	_ =	sdelay $0x3  }
0x37: {  	[smem:$0x3FAB] =	sst s10  }
0x38: {  	s10 =	sld [smem:$0x3FAC]  }
0x39: {  	_ = 	snop;
	(pc) =	sbr.ind lr, $3  }
0x3a: {  	_ = 	snop  }
0x3b: {  	_ = 	snop  }
0x3c: {  	p2 =	seq.s32 s10, $0x1;
	s10 =	sld [smem:$0x3FAB]  }
0x3d: {  	_ =	shalt  }
0x3e: {  	_ =	shalt  }
0x3f: {  	_ =	shalt  }
0x40: {  	_ =	shalt  }
0x41: {  	_ =	shalt  }
0x42: {  	_ =	shalt  }
0x43: {  	_ =	shalt  }
0x44: {  	_ =	shalt  }
0x45: {  	_ =	shalt  }
0x46: {  	_ =	shalt  }
0x47: {  	_ =	shalt  }
0x48: {  	_ =	shalt  }
0x49: {  	_ =	shalt  }
0x4a: {  	_ =	shalt  }
0x4b: {  	_ =	shalt  }
0x4c: {  	_ =	shalt  }
0x4d: {  	_ =	shalt  }
0x4e: {  	_ =	shalt  }
0x4f: {  	_ =	shalt  }
0x50: {  	_ =	shalt  }
0x51: {  	_ =	shalt  }
0x52: {  	_ =	shalt  }
0x53: {  	_ =	shalt  }
0x54: {  	_ =	shalt  }
0x55: {  	_ =	shalt  }
0x56: {  	_ =	shalt  }
0x57: {  	_ =	shalt  }
0x58: {  	_ =	shalt  }
0x59: {  	_ =	shalt  }
0x5a: {  	_ =	shalt  }
0x5b: {  	_ =	shalt  }
0x5c: {  	_ =	shalt  }
0x5d: {  	_ =	shalt  }
0x5e: {  	_ =	shalt  }
0x5f: {  	_ =	shalt  }
0x60: {  	_ =	shalt  }
0x61: {  	_ =	shalt  }
0x62: {  	_ =	shalt  }
0x63: {  	_ =	shalt  }
0x64: {  	_ =	shalt  }
0x65: {  	_ =	shalt  }
0x66: {  	_ =	shalt  }
0x67: {  	_ =	shalt  }
0x68: {  	_ =	shalt  }
0x69: {  	_ =	shalt  }
0x6a: {  	_ =	shalt  }
0x6b: {  	_ =	shalt  }
0x6c: {  	_ =	shalt  }
0x6d: {  	_ =	shalt  }
0x6e: {  	_ =	shalt  }
0x6f: {  	_ =	shalt  }
0x70: {  	_ =	shalt  }
0x71: {  	_ =	shalt  }
0x72: {  	_ =	shalt  }
0x73: {  	_ =	shalt  }
0x74: {  	_ =	shalt  }
0x75: {  	_ =	shalt  }
0x76: {  	_ =	shalt  }
0x77: {  	_ =	shalt  }
0x78: {  	_ =	shalt  }
0x79: {  	_ =	shalt  }
0x7a: {  	_ =	shalt  }
0x7b: {  	_ =	shalt  }
0x7c: {  	_ =	shalt  }
0x7d: {  	_ =	shalt  }
0x7e: {  	_ =	shalt  }
0x7f: {  	_ =	shalt  }
0x80: {  	_ =	shalt  }
0x81: {  	_ =	shalt  }
0x82: {  	_ =	shalt  }
0x83: {  	_ =	shalt  }
0x84: {  	_ =	shalt  }
0x85: {  	_ =	shalt  }
0x86: {  	_ =	shalt  }
0x87: {  	_ =	shalt  }
.Lfunc_end0:
.L_simem_size_0:
called_computation_lowered:
.L_overlay_start_0:
0x88: {  	s2 =	sld [smem:$0x3FD9]  }
0x89: {  	s3 =	sld [smem:$0x3FFE];
	_ =	sdelay $0x1  }
0x8a: {  	s1 =	srdreg.scid  }
0x8b: {  	s0 =	sand.u32 $0x1, s1  }
0x8c: {  	s16 =	sshll.u32 s0, $0xA;
	s2 =	sadd.s32 s3, s2  }
0x8d: {  	s2 =	sadd.s32 s2, s16  }
0x8e: {  	[smem:$0x3FB7] =	sst s2  }
0x8f: {  	_ = 	snop  }
0x90: {  	(tm) =	ssettm $0x1  }
0x91: {  	s17 =	sld [smem:$0x3FFB];
	_ =	sdelay $0x3  }
0x92: {  	_ =	strace s17  }
0x93: {  	s2 =	sld [smem:$0x3FFC];
	_ =	sdelay $0x3  }
0x94: {  	_ =	strace s2  }
0x95: {  	s2 =	sld [smem:$0x3FFD];
	_ =	sdelay $0x3  }
0x96: {  	_ =	strace s2  }
0x97: {  	_ =	strace $0x8FFFFFFF  }
0x98: {  	s18 =	sld [smem:$0x3FDB];
	_ =	sdelay $0x1  }
0x99: {  	s19 =	simm.s32 $_scs_section_size  }
0x9a: {  	s4 =	simm.s32 $_size__tile_overlayer_lowered;
	s5 =	simm.s32 $_tile_overlayer_lowered  }
0x9b: {  	s22 =	simm.s32 $0x1BFF;
	s21 =	sshll.u32 s5, $0x1;
	s2 =	sadd.s32 s19, s18  }
0x9c: {  	s6 =	simm.s32 $0x0;
	s20 =	sshll.u32 s4, $0x1;
	s4 =	sadd.s32 s21, s2  }
0x9d: {  	[timem:s6], [sflag:s22] =	dma.local [hbm:s4], s20  }
0x9e: {  	_ =	swait.ge [sflag:s22], s20  }
0x9f: {  	s3 =	ssub.s32 $0x0, s20;
	[sflag:s22] =	ssyncset.done $0x0  }
0xa0: {  	[sflag:s22] =	ssyncadd.s32 s3;
	_ =	sdelay $0x1  }
0xa1: {  	s23 =	simm.s32 $0x1B8B  }
0xa2: {  	_ =	swait.ge [sflag:s23], $0x1  }
0xa3: {  	[sflag:s23] =	ssyncset.done $0x0  }
0xa4: {  	s25 =	simm.s32 $0x1B8E;
	s24 =	sld [smem:$0x3FFE];
	[sflag:s23] =	ssyncadd.s32 $0xFFFFFFFF  }
0xa5: {  	s26 =	simm.s32 $execute0_lowered;
	[smem:$0x3FD2] =	sst s25  }
0xa6: {  	s4 =	sshll.u32 s26, $0x1;
	_ =	strace $0x80000046;
	[dreg:$0x1] =	wrdreg $0xFFFFFFFF  }
0xa7: {  	s28 =	simm.s32 $_size_execute0_lowered;
	s2 =	sadd.s32 s2, s4;
	[dreg:$0x0] =	wrdreg $0x0  }
0xa8: {  	s4 =	sshll.u32 s28, $0x1;
	[dreg:$0x2] =	wrdreg s2  }
0xa9: {  	[dreg:$0x3] =	wrdreg s4  }
0xaa: {  	[dreg:$0x4] =	wrdreg $0xC0  }
0xab: {  	_ =	task [dreg:s6], $0x5FFFF  }
0xac: {  	[dreg:$0x1] =	wrdreg $0xFFFFFFFF  }
0xad: {  	[dreg:$0x0] =	wrdreg $0x60  }
0xae: {  	[dreg:$0x2] =	wrdreg s24  }
0xaf: {  	[dreg:$0x3] =	wrdreg $0x68000  }
0xb0: {  	[dreg:$0x4] =	wrdreg $0x9  }
0xb1: {  	_ =	task.clear_ibuf [dreg:s6], $0x5FFFF;
	_ =	strace $0x90000046  }
0xb2: {  	s29 =	simm.s32 $0x9;
	_ =	strace $0x80000048  }
0xb3: {  	_ =	swait.ge [sflag:s29], $0x1  }
0xb4: {  	[sflag:s29] =	ssyncadd.s32 $0xFFFFFFFF  }
0xb5: {  	_ =	strace $0x90000048  }
0xb6: {  	_ =	sfence  }
0xb7: {  	s30 =	sld [smem:$0x0];
	_ =	sdelay $0x2  }
0xb8: {  	s31 =	sshll.u32 s1, $0xD;
	s1 =	sshrl.u32 s1, $0x2  }
0xb9: {  	s3 =	sand.u32 $0x4000, s31;
	s1 =	sadd.s32 s1, s30  }
0xba: {  	s0 =	sor.u32 s3, s0;
	s1 =	sshll.u32 s1, $0x11  }
0xbb: {  	s0 =	sor.u32 s1, s0  }
0xbc: {  	s0 =	sadd.s32 $0x8F2B, s0  }
0xbd: {  	[sflag:s0] =	ssyncadd.remote.s32 $0x1  }
0xbe: {  	_ =	sfence.sel $0xFFFF  }
0xbf: {  	[dreg:$0x0] =	wrdreg $0xFFFFFFFF;
	(pc) =	sbr.abs _section_cstart, $3  }
0xc0: {  	[dreg:$0x1] =	wrdreg $0xFFFFFFFF  }
0xc1: {  	_ =	task.clear_ibuf [dreg:s6], $0x2FFFF;
	_ =	strace $0x9FFFFFFF  }
0xc2: {  	(tm) =	ssettm $0x7FFFFFFF  }
0xc3: {  	_ =	shalt  }
tec
execute0_lowered:
.L_overlay_start_1:
0x0: {  	(tag) =	ssettag $0x1  }
0x1: {  	s6 =	rddreg [dreg:$0x0]  }
0x2: {  	s2 =	rddreg [dreg:$0x1]  }
0x3: {  	s0 =	rddreg [dreg:$0x2]  }
0x4: {  	s1 =	stileid.u32;
	s4 =	srdreg.scid  }
0x5: {  	s3 =	simm.s32 $0x0;
	s12 =	simm.s32 $0x4000;
	s13 =	simm.s32 $0x50  }
0x6: {  	s14 =	simm.s32 $0x0;
	s7 =	sand.u32 $0x1, s4;
	s5 =	smul.u32 $0x2800, s1  }
0x7: {  	[smem:$0x7FF] =	sst s3;
	s28 =	sshll.u32 s1, $0xB;
	s11 =	smul.u32 $0x50000, s1  }
0x8: {  	s4 =	sadd.s32 $0x16400, s6;
	s31 =	sshll.u32 s1, $0x6;
	s8 =	smul.u32 $0x28000, s7  }
0x9: {  	_ =	strace $0x80000047;
	s9 =	sadd.s32 s28, s6;
	s10 =	ssub.s32 $0x2, s7  }
0xa: {  	s7 =	sshll.u32 s7, $0xF;
	s29 =	sshrl.u32 s10, $0x1;
	s30 =	sshrl.u32 s11, $0x2  }
0xb: {  	s7 =	sadd.s32 s7, s9;
	s8 =	sadd.s32 s5, s8;
	s5 =	sadd.s32 $0x13C00, s6  }
0xc: {  	s10 =	ssub.s32 s10, s29;
	s11 =	sadd.s32 s30, s2;
	s7 =	sadd.s32 $0x3C00, s7  }
0xd: {  	s8 =	sadd.s32 s8, s6;
	s6 =	sor.u32 $0x1C01, s31;
	s9 =	smax.u32 s10, $0x1  }
0xe: {  	s10 =	sshrl.u32 s11, $0x3;
	s11 =	simm.s32 $0x1;
	s8 =	sadd.s32 $0x16A00, s8  }
.LBB2_1:
0xf: {  	[spmem:s10], [sflag:s6] =	dma.local [hbm:s5], $0x2800  }
0x10: {  	_ =	swait.ge [sflag:s11], $0x2800  }
0x11: {  	[sflag:s11] =	ssyncset.done $0x0  }
0x12: {  	[sflag:s11] =	ssyncadd.s32 $0xFFFFD800  }
0x13: {  	[tilespmem:s12], [sflag:$0x1] =	stream.linear.gather [hbm4b:s4+s3], $0x2800, $0x38;
	[tilespmem:$0x1A800] =	vst v63  }
0x14: {  	_ =	swait.ge [sflag:s11], $0x2800  }
0x15: {  	[sflag:s11] =	ssyncset.done $0x0  }
0x16: {  	[sflag:s11] =	ssyncadd.s32 $0xFFFFD800  }
0x17: {  	[tilespmem:s3], [sflag:$0x1] =	stream.linear.gather [hbm4b:s7+s3], $0x3E80, $0x38;
	[tilespmem:$0x1A800] =	vst v63  }
0x18: {  	_ =	swait.ge [sflag:s11], $0x3E80  }
0x19: {  	[sflag:s11] =	ssyncset.done $0x0  }
0x1a: {  	[sflag:s11] =	ssyncadd.s32 $0xFFFFC180  }
0x1b: {  	s15 =	simm.s32 $0x0;
	[bflag:$0x0] =	sbarrier.arrive $0xFFFF  }
0x1c: {  	[spmem:s2] =	stream.indirect.scatter.add.f32 [tilespmem:s12], [sflag:$0x1], $0x80, s15, s13, $0xb8;
	[tilespmem:$0x1A800] =	vst v63  }
0x1d: {  	_ =	swait.ge [sflag:s11], $0x2800  }
0x1e: {  	s15 =	simm.s32 $0x200;
	[sflag:s11] =	ssyncset.done $0x0  }
.LBB2_2:
0x1f: {  	s16 =	sshra.s32 s15, $0x2;
	[sflag:s11] =	ssyncadd.s32 $0xFFFFD800;
	p0 =	sne.s32 s15, $0xF800  }
0x20: {  	[spmem:s2] =	stream.indirect.scatter.add.f32 [tilespmem:s12], [sflag:$0x1], $0x80, s16, s13, $0xb8;
	[tilespmem:$0x1A800] =	vst v63  }
.Ltmp0:
0x21: {  	_ = 	snop;
	(pc) =	sbr.rel @p0 .LBB2_2-.Ltmp0, $4  }
0x22: {  	_ = 	snop  }
0x23: {  	s15 =	sadd.s32 $0x200, s15  }
0x24: {  	_ =	swait.ge [sflag:s11], $0x2800  }
0x25: {  	[sflag:s11] =	ssyncset.done $0x0  }
0x26: {  	s14 =	sadd.s32 $0x1, s14  }
0x27: {  	[sflag:s11] =	ssyncadd.s32 $0xFFFFD800;
	p0 =	sne.s32 s14, s9  }
.Ltmp1:
0x28: {  	[bflag:$0x0] =	sbarrier.arrive $0xFFFF;
	(pc) =	sbr.rel @p0 .LBB2_1-.Ltmp1, $4  }
0x29: {  	[hbm:s8], [sflag:s6] =	dma.local [spmem:s10], $0x2800  }
0x2a: {  	_ =	swait.ge [sflag:s11], $0x2800  }
0x2b: {  	[sflag:s11] =	ssyncset.done $0x0  }
0x2c: {  	[sflag:s11] =	ssyncadd.s32 $0xFFFFD800  }
0x2d: {  	_ =	sfence.sel $0x180000  }
0x2e: {  	[bflag:$0x0] =	sbarrier.arrive $0xFFFF  }
0x2f: {  	p0 =	sne.s32 s1, $0x0;
	_ =	strace $0x90000047  }
0x30: {  	s0 =	sadd.s32 @!p0 $0x100000, s0;
	[bflag:$0x2] =	sbarrier.arrive $0xFFFF  }
0x31: {  	[sflag:s0] =	ssyncadd.tile.s32 @!p0 $0x1;
	_ =	shalt  }
.Lfunc_end2:
_tile_overlayer_lowered:
.L_overlay_start_2:
0x32: {  	(tag) =	ssettag $0x2  }
0x33: {  	s0 =	rddreg [dreg:$0x0];
	s2 =	stileid.u32  }
0x34: {  	s1 =	rddreg [dreg:$0x1];
	p0 =	sne.s32 s2, $0x0  }
0x35: {  	s3 =	rddreg [dreg:$0x2];
	[bflag:$0x3] =	sbarrier.arrive $0xFFFF;
	s2 =	simm.s32 @!p0 $0x1C01  }
0x36: {  	[timem:s3], [sflag:s2] =	dma.local @!p0 [hbm:s0], s1  }
0x37: {  	s0 =	simm.s32 @!p0 $0x1  }
0x38: {  	_ =	swait.ge @!p0 [sflag:s0], s1  }
0x39: {  	s1 =	ssub.s32 @!p0 $0x0, s1;
	[sflag:s0] =	ssyncset.done @!p0 $0x0  }
0x3a: {  	[sflag:s0] =	ssyncadd.s32 @!p0 s1  }
0x3b: {  	[bflag:$0x3] =	sbarrier.arrive $0xFFFF  }
0x3c: {  	_ =	shalt  }

// kernel: kernel.13.cloned.1.call-start
scs
__scs_entry_jumppad:
0x0: {  	(pc) =	sbr.rel $0x88, $3  }
0x1: {  	(tag) =	ssettag $0x0;
	lr =	simm.s32 $0x1  }
0x2: {  	[smem:$0x3F90] =	sst lr;
	_ =	strace $0xD0000000  }
0x3: {  	_ = 	snop  }
0x4: {  	_ = 	snop  }
0x5: {  	_ = 	snop  }
0x6: {  	_ = 	snop  }
0x7: {  	_ = 	snop  }
__scs_overlays_trampoline_lowered:
0x8: {  	[smem:$0x3F9F] =	sst s0  }
0x9: {  	[smem:$0x3FA0] =	sst s1  }
0xa: {  	[smem:$0x3FA1] =	sst s2  }
0xb: {  	[smem:$0x3FA2] =	sst s3  }
0xc: {  	[smem:$0x3FA3] =	sst s4  }
0xd: {  	[smem:$0x3FA4] =	sst s5  }
0xe: {  	[smem:$0x3FA5] =	sst s6  }
0xf: {  	[smem:$0x3FA6] =	sst s7  }
0x10: {  	[smem:$0x3FA7] =	sst s8  }
0x11: {  	[smem:$0x3FA8] =	sst s9;
	s0 =	simm.s32 @!p0 $0x0  }
0x12: {  	s1 =	sld [smem:$0x3F8E];
	s0 =	simm.s32 @p0 $0x1  }
0x13: {  	[smem:$0x3FA9] =	sst s0;
	s0 =	simm.s32 @!p1 $0x0  }
0x14: {  	s2 =	sld [smem:$0x3F8D];
	s0 =	simm.s32 @p1 $0x1  }
0x15: {  	[smem:$0x3FAA] =	sst s0;
	s0 =	simm.s32 @!p2 $0x0  }
0x16: {  	s3 =	sld [smem:$0x3FDB];
	s0 =	simm.s32 @p2 $0x1  }
0x17: {  	s4 =	simm.s32 $0x1BF5;
	[smem:$0x3FAC] =	sst s0  }
0x18: {  	s0 =	sld [smem:$0x3F8F];
	_ =	swait.ge [sflag:s4], $0x0  }
0x19: {  	s7 =	sld [smem:$0x3F90]  }
0x1a: {  	s8 =	sadd.s32 $0xFFFFE003, lr  }
0x1b: {  	s9 =	sadd.s32 $0xFFFFFEF7, lr;
	s5 =	simm.s32 $0xFFFFFFFF;
	p2 =	slt.u32 s8, $0xFFFFF086  }
0x1c: {  	p1 =	slt.u32 s9, $0xF7A;
	s5 =	simm.s32 @!p2 $0x0  }
0x1d: {  	s5 =	simm.s32 @p1 $0x1;
	p0 =	seq.s32 s7, s2  }
0x1e: {  	s7 =	smul.u32 @!p0 $0xF7A, s2;
	p2 =	seq.s32 @!p0 s5, $0x0  }
0x1f: {  	s9 =	smul.u32 $0xF7A, s1;
	s8 =	simm.s32 @!p0 $0x1BF5;
	p2 =	por !p2, p0  }
0x20: {  	[sflag:s8] =	ssyncset.s32 @!p0 $0xFFFFF086;
	s6 =	sadd.s32 @!p0 s3, s7;
	s7 =	simm.s32 @!p0 $0x108  }
0x21: {  	s3 =	sadd.s32 s3, s9;
	s6 =	sadd.s32 @!p0 $0x88, s6;
	s7 =	simm.s32 @p2 $0x1082  }
0x22: {  	[simem:s7], [sflag:s8] =	dma.local @!p0 [hbm:s6], $0xF7A  }
0x23: {  	s9 =	sor.u32 $0xD0000000, s2;
	s6 =	simm.s32 $0x108;
	_ =	swait.ge @!p0 [sflag:s8], $0x0  }
0x24: {  	s3 =	sadd.s32 $0x88, s3;
	s6 =	simm.s32 @!p1 $0x1082;
	[sflag:s4] =	ssyncset.s32 $0xFFFFF086  }
0x25: {  	[simem:s6], [sflag:s4] =	dma.local [hbm:s3], $0xF7A  }
0x26: {  	[smem:$0x3F90] =	sst s1;
	(tag) =	ssettag s2;
	_ =	strace s9  }
0x27: {  	s1 =	sld [smem:$0x3FA0]  }
0x28: {  	s2 =	sld [smem:$0x3FA1]  }
0x29: {  	s4 =	sld [smem:$0x3FA3]  }
0x2a: {  	p0 =	seq.s32 s5, $0x0;
	s5 =	sld [smem:$0x3FA4]  }
0x2b: {  	s6 =	sld [smem:$0x3FA5]  }
0x2c: {  	s7 =	sld [smem:$0x3FA6]  }
0x2d: {  	s3 =	simm.s32 $0x108;
	s8 =	sld [smem:$0x3FA7]  }
0x2e: {  	s3 =	simm.s32 @!p0 $0x1082;
	s9 =	sld [smem:$0x3FA8]  }
0x2f: {  	lr =	sadd.s32 s0, s3;
	s0 =	sld [smem:$0x3F9F]  }
0x30: {  	s3 =	sld [smem:$0x3FA2]  }
0x31: {  	[smem:$0x3FAB] =	sst s10  }
0x32: {  	s10 =	sld [smem:$0x3FA9];
	_ =	sdelay $0x3  }
0x33: {  	p0 =	seq.s32 s10, $0x1;
	s10 =	sld [smem:$0x3FAB];
	_ =	sdelay $0x3  }
0x34: {  	[smem:$0x3FAB] =	sst s10  }
0x35: {  	s10 =	sld [smem:$0x3FAA];
	_ =	sdelay $0x3  }
0x36: {  	p1 =	seq.s32 s10, $0x1;
	s10 =	sld [smem:$0x3FAB];
	_ =	sdelay $0x3  }
0x37: {  	[smem:$0x3FAB] =	sst s10  }
0x38: {  	s10 =	sld [smem:$0x3FAC]  }
0x39: {  	_ = 	snop;
	(pc) =	sbr.ind lr, $3  }
0x3a: {  	_ = 	snop  }
0x3b: {  	_ = 	snop  }
0x3c: {  	p2 =	seq.s32 s10, $0x1;
	s10 =	sld [smem:$0x3FAB]  }
0x3d: {  	_ =	shalt  }
0x3e: {  	_ =	shalt  }
0x3f: {  	_ =	shalt  }
0x40: {  	_ =	shalt  }
0x41: {  	_ =	shalt  }
0x42: {  	_ =	shalt  }
0x43: {  	_ =	shalt  }
0x44: {  	_ =	shalt  }
0x45: {  	_ =	shalt  }
0x46: {  	_ =	shalt  }
0x47: {  	_ =	shalt  }
0x48: {  	_ =	shalt  }
0x49: {  	_ =	shalt  }
0x4a: {  	_ =	shalt  }
0x4b: {  	_ =	shalt  }
0x4c: {  	_ =	shalt  }
0x4d: {  	_ =	shalt  }
0x4e: {  	_ =	shalt  }
0x4f: {  	_ =	shalt  }
0x50: {  	_ =	shalt  }
0x51: {  	_ =	shalt  }
0x52: {  	_ =	shalt  }
0x53: {  	_ =	shalt  }
0x54: {  	_ =	shalt  }
0x55: {  	_ =	shalt  }
0x56: {  	_ =	shalt  }
0x57: {  	_ =	shalt  }
0x58: {  	_ =	shalt  }
0x59: {  	_ =	shalt  }
0x5a: {  	_ =	shalt  }
0x5b: {  	_ =	shalt  }
0x5c: {  	_ =	shalt  }
0x5d: {  	_ =	shalt  }
0x5e: {  	_ =	shalt  }
0x5f: {  	_ =	shalt  }
0x60: {  	_ =	shalt  }
0x61: {  	_ =	shalt  }
0x62: {  	_ =	shalt  }
0x63: {  	_ =	shalt  }
0x64: {  	_ =	shalt  }
0x65: {  	_ =	shalt  }
0x66: {  	_ =	shalt  }
0x67: {  	_ =	shalt  }
0x68: {  	_ =	shalt  }
0x69: {  	_ =	shalt  }
0x6a: {  	_ =	shalt  }
0x6b: {  	_ =	shalt  }
0x6c: {  	_ =	shalt  }
0x6d: {  	_ =	shalt  }
0x6e: {  	_ =	shalt  }
0x6f: {  	_ =	shalt  }
0x70: {  	_ =	shalt  }
0x71: {  	_ =	shalt  }
0x72: {  	_ =	shalt  }
0x73: {  	_ =	shalt  }
0x74: {  	_ =	shalt  }
0x75: {  	_ =	shalt  }
0x76: {  	_ =	shalt  }
0x77: {  	_ =	shalt  }
0x78: {  	_ =	shalt  }
0x79: {  	_ =	shalt  }
0x7a: {  	_ =	shalt  }
0x7b: {  	_ =	shalt  }
0x7c: {  	_ =	shalt  }
0x7d: {  	_ =	shalt  }
0x7e: {  	_ =	shalt  }
0x7f: {  	_ =	shalt  }
0x80: {  	_ =	shalt  }
0x81: {  	_ =	shalt  }
0x82: {  	_ =	shalt  }
0x83: {  	_ =	shalt  }
0x84: {  	_ =	shalt  }
0x85: {  	_ =	shalt  }
0x86: {  	_ =	shalt  }
0x87: {  	_ =	shalt  }
.Lfunc_end0:
.L_simem_size_0:
called_computation.1_lowered:
.L_overlay_start_0:
0x88: {  	s2 =	sld [smem:$0x3FD9]  }
0x89: {  	s3 =	sld [smem:$0x3FFE];
	_ =	sdelay $0x1  }
0x8a: {  	s1 =	srdreg.scid  }
0x8b: {  	s0 =	sand.u32 $0x1, s1  }
0x8c: {  	s16 =	sshll.u32 s0, $0xA;
	s2 =	sadd.s32 s3, s2  }
0x8d: {  	s2 =	sadd.s32 s2, s16  }
0x8e: {  	[smem:$0x3FB7] =	sst s2  }
0x8f: {  	_ = 	snop  }
0x90: {  	(tm) =	ssettm $0x1  }
0x91: {  	s17 =	sld [smem:$0x3FFB];
	_ =	sdelay $0x3  }
0x92: {  	_ =	strace s17  }
0x93: {  	s2 =	sld [smem:$0x3FFC];
	_ =	sdelay $0x3  }
0x94: {  	_ =	strace s2  }
0x95: {  	s2 =	sld [smem:$0x3FFD];
	_ =	sdelay $0x3  }
0x96: {  	_ =	strace s2  }
0x97: {  	_ =	strace $0x8FFFFFFF  }
0x98: {  	s18 =	sld [smem:$0x3FDB];
	_ =	sdelay $0x1  }
0x99: {  	s19 =	simm.s32 $_scs_section_size  }
0x9a: {  	s4 =	simm.s32 $_size__tile_overlayer_lowered;
	s5 =	simm.s32 $_tile_overlayer_lowered  }
0x9b: {  	s22 =	simm.s32 $0x1BFF;
	s21 =	sshll.u32 s5, $0x1;
	s2 =	sadd.s32 s19, s18  }
0x9c: {  	s6 =	simm.s32 $0x0;
	s20 =	sshll.u32 s4, $0x1;
	s4 =	sadd.s32 s21, s2  }
0x9d: {  	[timem:s6], [sflag:s22] =	dma.local [hbm:s4], s20  }
0x9e: {  	_ =	swait.ge [sflag:s22], s20  }
0x9f: {  	s3 =	ssub.s32 $0x0, s20;
	[sflag:s22] =	ssyncset.done $0x0  }
0xa0: {  	[sflag:s22] =	ssyncadd.s32 s3;
	_ =	sdelay $0x1  }
0xa1: {  	s23 =	simm.s32 $0x1B8B  }
0xa2: {  	_ =	swait.ge [sflag:s23], $0x1  }
0xa3: {  	[sflag:s23] =	ssyncset.done $0x0  }
0xa4: {  	s25 =	simm.s32 $0x1B8E;
	s24 =	sld [smem:$0x3FFE];
	[sflag:s23] =	ssyncadd.s32 $0xFFFFFFFF  }
0xa5: {  	s26 =	simm.s32 $execute0_lowered;
	[smem:$0x3FD2] =	sst s25  }
0xa6: {  	s4 =	sshll.u32 s26, $0x1;
	_ =	strace $0x80000049;
	[dreg:$0x1] =	wrdreg $0xFFFFFFFF  }
0xa7: {  	s28 =	simm.s32 $_size_execute0_lowered;
	s2 =	sadd.s32 s2, s4;
	[dreg:$0x0] =	wrdreg $0x0  }
0xa8: {  	s4 =	sshll.u32 s28, $0x1;
	[dreg:$0x2] =	wrdreg s2  }
0xa9: {  	[dreg:$0x3] =	wrdreg s4  }
0xaa: {  	[dreg:$0x4] =	wrdreg $0xC0  }
0xab: {  	_ =	task [dreg:s6], $0x5FFFF  }
0xac: {  	[dreg:$0x1] =	wrdreg $0xFFFFFFFF  }
0xad: {  	[dreg:$0x0] =	wrdreg $0x60  }
0xae: {  	[dreg:$0x2] =	wrdreg s24  }
0xaf: {  	[dreg:$0x3] =	wrdreg $0xA8000  }
0xb0: {  	[dreg:$0x4] =	wrdreg $0x9  }
0xb1: {  	_ =	task.clear_ibuf [dreg:s6], $0x5FFFF;
	_ =	strace $0x90000049  }
0xb2: {  	s29 =	simm.s32 $0x9;
	_ =	strace $0x8000004B  }
0xb3: {  	_ =	swait.ge [sflag:s29], $0x1  }
0xb4: {  	[sflag:s29] =	ssyncadd.s32 $0xFFFFFFFF  }
0xb5: {  	_ =	strace $0x9000004B  }
0xb6: {  	_ =	sfence  }
0xb7: {  	s30 =	sld [smem:$0x0];
	_ =	sdelay $0x2  }
0xb8: {  	s31 =	sshll.u32 s1, $0xD;
	s1 =	sshrl.u32 s1, $0x2  }
0xb9: {  	s3 =	sand.u32 $0x4000, s31;
	s1 =	sadd.s32 s1, s30  }
0xba: {  	s0 =	sor.u32 s3, s0;
	s1 =	sshll.u32 s1, $0x11  }
0xbb: {  	s0 =	sor.u32 s1, s0  }
0xbc: {  	s0 =	sadd.s32 $0x8F2B, s0  }
0xbd: {  	[sflag:s0] =	ssyncadd.remote.s32 $0x1  }
0xbe: {  	_ =	sfence.sel $0xFFFF  }
0xbf: {  	[dreg:$0x0] =	wrdreg $0xFFFFFFFF;
	(pc) =	sbr.abs _section_cstart, $3  }
0xc0: {  	[dreg:$0x1] =	wrdreg $0xFFFFFFFF  }
0xc1: {  	_ =	task.clear_ibuf [dreg:s6], $0x2FFFF;
	_ =	strace $0x9FFFFFFF  }
0xc2: {  	(tm) =	ssettm $0x7FFFFFFF  }
0xc3: {  	_ =	shalt  }
tec
execute0_lowered:
.L_overlay_start_1:
0x0: {  	(tag) =	ssettag $0x1  }
0x1: {  	s6 =	rddreg [dreg:$0x0]  }
0x2: {  	s1 =	rddreg [dreg:$0x1]  }
0x3: {  	s0 =	rddreg [dreg:$0x2];
	s3 =	simm.s32 $0x0;
	s4 =	srdreg.scid  }
0x4: {  	s2 =	stileid.u32;
	s13 =	simm.s32 $0x4000;
	s14 =	simm.s32 $0x50  }
0x5: {  	s15 =	simm.s32 $0x8000;
	s16 =	simm.s32 $0x1;
	s17 =	simm.s32 $0x0  }
0x6: {  	[smem:$0x7FF] =	sst s3;
	s7 =	sand.u32 $0x1, s4;
	s8 =	smul.u32 $0x2800, s2  }
0x7: {  	s5 =	sshll.u32 s2, $0xB;
	s11 =	smul.u32 $0x50000, s2;
	s31 =	sshll.u32 s2, $0x6  }
0x8: {  	s4 =	sshll.u32 s7, $0xF;
	_ =	strace $0x8000004A;
	s9 =	smul.u32 $0x28000, s7  }
0x9: {  	s7 =	ssub.s32 $0x2, s7;
	s5 =	sor.u32 s5, s4;
	s4 =	sadd.s32 $0x16400, s6  }
0xa: {  	s28 =	sshrl.u32 s7, $0x1;
	s29 =	sshrl.u32 s11, $0x2;
	s10 =	sadd.s32 s5, s6  }
0xb: {  	s5 =	sadd.s32 $0x13C00, s6;
	s8 =	sadd.s32 s8, s9;
	s30 =	ssub.s32 s7, s28  }
0xc: {  	s12 =	sadd.s32 s29, s1;
	s9 =	sadd.s32 s8, s6;
	s6 =	sor.u32 $0x1C02, s31  }
0xd: {  	s7 =	sadd.s32 $0x66A00, s10;
	s8 =	sadd.s32 $0x3C00, s10;
	s10 =	smax.u32 s30, $0x1  }
0xe: {  	s11 =	sshrl.u32 s12, $0x3;
	s12 =	simm.s32 $0x2;
	s9 =	sadd.s32 $0x76A00, s9  }
.LBB2_1:
0xf: {  	[spmem:s11], [sflag:s6] =	dma.local [hbm:s5], $0x2800  }
0x10: {  	_ =	swait.ge [sflag:s12], $0x2800  }
0x11: {  	[sflag:s12] =	ssyncset.done $0x0  }
0x12: {  	[sflag:s12] =	ssyncadd.s32 $0xFFFFD800  }
0x13: {  	[tilespmem:s3], [sflag:$0x2] =	stream.linear.gather [hbm4b:s7+s3], $0x3E80, $0x38;
	[tilespmem:$0x1E800] =	vst v63  }
0x14: {  	_ =	swait.ge [sflag:s12], $0x3E80  }
0x15: {  	[sflag:s12] =	ssyncset.done $0x0  }
0x16: {  	[sflag:s12] =	ssyncadd.s32 $0xFFFFC180  }
0x17: {  	[tilespmem:s13], [sflag:$0x2] =	stream.linear.gather [hbm4b:s8+s3], $0x3E80, $0x38;
	[tilespmem:$0x1E800] =	vst v63  }
0x18: {  	_ =	swait.ge [sflag:s12], $0x3E80  }
0x19: {  	[sflag:s12] =	ssyncset.done $0x0  }
0x1a: {  	[sflag:s12] =	ssyncadd.s32 $0xFFFFC180  }
0x1b: {  	s18 =	simm.s32 $0x0;
	[bflag:$0x0] =	sbarrier.arrive $0xFFFF  }
0x1c: {  	[tilespmem:s15], [sflag:$0x1] =	stream.indirect.gather [hbm4b:s4+s14], $0x80, s18, s14, $0xb8;
	[tilespmem:$0x1E800] =	vst v63  }
0x1d: {  	_ =	swait.ge [sflag:s16], $0x2800  }
0x1e: {  	[sflag:s16] =	ssyncset.done $0x0  }
0x1f: {  	s31 =	simm.s32 $0x4000;
	[sflag:s16] =	ssyncadd.s32 $0xFFFFD800  }
0x20: {  	[spmem:s1] =	stream.indirect.scatter.add.f32 [tilespmem:s15], [sflag:$0x2], $0x80, s31, s14, $0xb8;
	[tilespmem:$0x1E800] =	vst v63  }
0x21: {  	_ =	swait.ge [sflag:s12], $0x2800  }
0x22: {  	s19 =	simm.s32 $0x400;
	s18 =	simm.s32 $0x200;
	[sflag:s12] =	ssyncset.done $0x0  }
.LBB2_2:
0x23: {  	s20 =	sshra.s32 s18, $0x2  }
0x24: {  	[sflag:s12] =	ssyncadd.s32 $0xFFFFD800;
	s18 =	smov.u32 s19;
	s21 =	sadd.s32 $0x200, s19  }
0x25: {  	[tilespmem:s15], [sflag:$0x1] =	stream.indirect.gather [hbm4b:s4+s14], $0x80, s20, s14, $0xb8;
	[tilespmem:$0x1E800] =	vst v63  }
0x26: {  	p0 =	sne.s32 s19, $0xF800;
	_ =	swait.ge [sflag:s16], $0x2800  }
.Ltmp0:
0x27: {  	[sflag:s16] =	ssyncset.done $0x0;
	(pc) =	sbr.rel @p0 .LBB2_2-.Ltmp0, $4  }
0x28: {  	s19 =	sadd.s32 $0x4000, s20;
	[sflag:s16] =	ssyncadd.s32 $0xFFFFD800  }
0x29: {  	[spmem:s1] =	stream.indirect.scatter.add.f32 [tilespmem:s15], [sflag:$0x2], $0x80, s19, s14, $0xb8;
	[tilespmem:$0x1E800] =	vst v63  }
0x2a: {  	_ =	swait.ge [sflag:s12], $0x2800  }
0x2b: {  	s19 =	smov.u32 s21;
	[sflag:s12] =	ssyncset.done $0x0  }
0x2c: {  	s18 =	sshra.s32 s18, $0x2;
	[sflag:s12] =	ssyncadd.s32 $0xFFFFD800  }
0x2d: {  	[tilespmem:s15], [sflag:$0x1] =	stream.indirect.gather [hbm4b:s4+s14], $0x80, s18, s14, $0xb8;
	[tilespmem:$0x1E800] =	vst v63  }
0x2e: {  	_ =	swait.ge [sflag:s16], $0x2800  }
0x2f: {  	[sflag:s16] =	ssyncset.done $0x0  }
0x30: {  	s18 =	sadd.s32 $0x4000, s18;
	[sflag:s16] =	ssyncadd.s32 $0xFFFFD800  }
0x31: {  	[spmem:s1] =	stream.indirect.scatter.add.f32 [tilespmem:s15], [sflag:$0x2], $0x80, s18, s14, $0xb8;
	[tilespmem:$0x1E800] =	vst v63  }
0x32: {  	_ =	swait.ge [sflag:s12], $0x2800  }
0x33: {  	s17 =	sadd.s32 $0x1, s17;
	[sflag:s12] =	ssyncset.done $0x0  }
0x34: {  	p0 =	sne.s32 s17, s10;
	[sflag:s12] =	ssyncadd.s32 $0xFFFFD800  }
.Ltmp1:
0x35: {  	[bflag:$0x0] =	sbarrier.arrive $0xFFFF;
	(pc) =	sbr.rel @p0 .LBB2_1-.Ltmp1, $4  }
0x36: {  	[hbm:s9], [sflag:s6] =	dma.local [spmem:s11], $0x2800  }
0x37: {  	_ =	swait.ge [sflag:s12], $0x2800  }
0x38: {  	[sflag:s12] =	ssyncset.done $0x0  }
0x39: {  	[sflag:s12] =	ssyncadd.s32 $0xFFFFD800  }
0x3a: {  	_ =	sfence.sel $0x180000  }
0x3b: {  	[bflag:$0x0] =	sbarrier.arrive $0xFFFF  }
0x3c: {  	p0 =	sne.s32 s2, $0x0;
	_ =	strace $0x9000004A  }
0x3d: {  	s0 =	sadd.s32 @!p0 $0x100000, s0;
	[bflag:$0x2] =	sbarrier.arrive $0xFFFF  }
0x3e: {  	[sflag:s0] =	ssyncadd.tile.s32 @!p0 $0x1;
	_ =	shalt  }
.Lfunc_end2:
_tile_overlayer_lowered:
.L_overlay_start_2:
0x3f: {  	(tag) =	ssettag $0x2  }
0x40: {  	s0 =	rddreg [dreg:$0x0];
	s2 =	stileid.u32  }
0x41: {  	s1 =	rddreg [dreg:$0x1];
	p0 =	sne.s32 s2, $0x0  }
0x42: {  	s3 =	rddreg [dreg:$0x2];
	[bflag:$0x3] =	sbarrier.arrive $0xFFFF;
	s2 =	simm.s32 @!p0 $0x1C02  }
0x43: {  	[timem:s3], [sflag:s2] =	dma.local @!p0 [hbm:s0], s1  }
0x44: {  	s0 =	simm.s32 @!p0 $0x2  }
0x45: {  	_ =	swait.ge @!p0 [sflag:s0], s1  }
0x46: {  	s1 =	ssub.s32 @!p0 $0x0, s1;
	[sflag:s0] =	ssyncset.done @!p0 $0x0  }
0x47: {  	[sflag:s0] =	ssyncadd.s32 @!p0 s1  }
0x48: {  	[bflag:$0x3] =	sbarrier.arrive $0xFFFF  }
0x49: {  	_ =	shalt  }

// kernel: kernel.16.cloned.1.call-start
scs
__scs_entry_jumppad:
0x0: {  	(pc) =	sbr.rel $0x88, $3  }
0x1: {  	(tag) =	ssettag $0x0;
	lr =	simm.s32 $0x1  }
0x2: {  	[smem:$0x3F90] =	sst lr;
	_ =	strace $0xD0000000  }
0x3: {  	_ = 	snop  }
0x4: {  	_ = 	snop  }
0x5: {  	_ = 	snop  }
0x6: {  	_ = 	snop  }
0x7: {  	_ = 	snop  }
__scs_overlays_trampoline_lowered:
0x8: {  	[smem:$0x3F9F] =	sst s0  }
0x9: {  	[smem:$0x3FA0] =	sst s1  }
0xa: {  	[smem:$0x3FA1] =	sst s2  }
0xb: {  	[smem:$0x3FA2] =	sst s3  }
0xc: {  	[smem:$0x3FA3] =	sst s4  }
0xd: {  	[smem:$0x3FA4] =	sst s5  }
0xe: {  	[smem:$0x3FA5] =	sst s6  }
0xf: {  	[smem:$0x3FA6] =	sst s7  }
0x10: {  	[smem:$0x3FA7] =	sst s8  }
0x11: {  	[smem:$0x3FA8] =	sst s9;
	s0 =	simm.s32 @!p0 $0x0  }
0x12: {  	s1 =	sld [smem:$0x3F8E];
	s0 =	simm.s32 @p0 $0x1  }
0x13: {  	[smem:$0x3FA9] =	sst s0;
	s0 =	simm.s32 @!p1 $0x0  }
0x14: {  	s2 =	sld [smem:$0x3F8D];
	s0 =	simm.s32 @p1 $0x1  }
0x15: {  	[smem:$0x3FAA] =	sst s0;
	s0 =	simm.s32 @!p2 $0x0  }
0x16: {  	s3 =	sld [smem:$0x3FDB];
	s0 =	simm.s32 @p2 $0x1  }
0x17: {  	s4 =	simm.s32 $0x1BF5;
	[smem:$0x3FAC] =	sst s0  }
0x18: {  	s0 =	sld [smem:$0x3F8F];
	_ =	swait.ge [sflag:s4], $0x0  }
0x19: {  	s7 =	sld [smem:$0x3F90]  }
0x1a: {  	s8 =	sadd.s32 $0xFFFFE003, lr  }
0x1b: {  	s9 =	sadd.s32 $0xFFFFFEF7, lr;
	s5 =	simm.s32 $0xFFFFFFFF;
	p2 =	slt.u32 s8, $0xFFFFF086  }
0x1c: {  	p1 =	slt.u32 s9, $0xF7A;
	s5 =	simm.s32 @!p2 $0x0  }
0x1d: {  	s5 =	simm.s32 @p1 $0x1;
	p0 =	seq.s32 s7, s2  }
0x1e: {  	s7 =	smul.u32 @!p0 $0xF7A, s2;
	p2 =	seq.s32 @!p0 s5, $0x0  }
0x1f: {  	s9 =	smul.u32 $0xF7A, s1;
	s8 =	simm.s32 @!p0 $0x1BF5;
	p2 =	por !p2, p0  }
0x20: {  	[sflag:s8] =	ssyncset.s32 @!p0 $0xFFFFF086;
	s6 =	sadd.s32 @!p0 s3, s7;
	s7 =	simm.s32 @!p0 $0x108  }
0x21: {  	s3 =	sadd.s32 s3, s9;
	s6 =	sadd.s32 @!p0 $0x88, s6;
	s7 =	simm.s32 @p2 $0x1082  }
0x22: {  	[simem:s7], [sflag:s8] =	dma.local @!p0 [hbm:s6], $0xF7A  }
0x23: {  	s9 =	sor.u32 $0xD0000000, s2;
	s6 =	simm.s32 $0x108;
	_ =	swait.ge @!p0 [sflag:s8], $0x0  }
0x24: {  	s3 =	sadd.s32 $0x88, s3;
	s6 =	simm.s32 @!p1 $0x1082;
	[sflag:s4] =	ssyncset.s32 $0xFFFFF086  }
0x25: {  	[simem:s6], [sflag:s4] =	dma.local [hbm:s3], $0xF7A  }
0x26: {  	[smem:$0x3F90] =	sst s1;
	(tag) =	ssettag s2;
	_ =	strace s9  }
0x27: {  	s1 =	sld [smem:$0x3FA0]  }
0x28: {  	s2 =	sld [smem:$0x3FA1]  }
0x29: {  	s4 =	sld [smem:$0x3FA3]  }
0x2a: {  	p0 =	seq.s32 s5, $0x0;
	s5 =	sld [smem:$0x3FA4]  }
0x2b: {  	s6 =	sld [smem:$0x3FA5]  }
0x2c: {  	s7 =	sld [smem:$0x3FA6]  }
0x2d: {  	s3 =	simm.s32 $0x108;
	s8 =	sld [smem:$0x3FA7]  }
0x2e: {  	s3 =	simm.s32 @!p0 $0x1082;
	s9 =	sld [smem:$0x3FA8]  }
0x2f: {  	lr =	sadd.s32 s0, s3;
	s0 =	sld [smem:$0x3F9F]  }
0x30: {  	s3 =	sld [smem:$0x3FA2]  }
0x31: {  	[smem:$0x3FAB] =	sst s10  }
0x32: {  	s10 =	sld [smem:$0x3FA9];
	_ =	sdelay $0x3  }
0x33: {  	p0 =	seq.s32 s10, $0x1;
	s10 =	sld [smem:$0x3FAB];
	_ =	sdelay $0x3  }
0x34: {  	[smem:$0x3FAB] =	sst s10  }
0x35: {  	s10 =	sld [smem:$0x3FAA];
	_ =	sdelay $0x3  }
0x36: {  	p1 =	seq.s32 s10, $0x1;
	s10 =	sld [smem:$0x3FAB];
	_ =	sdelay $0x3  }
0x37: {  	[smem:$0x3FAB] =	sst s10  }
0x38: {  	s10 =	sld [smem:$0x3FAC]  }
0x39: {  	_ = 	snop;
	(pc) =	sbr.ind lr, $3  }
0x3a: {  	_ = 	snop  }
0x3b: {  	_ = 	snop  }
0x3c: {  	p2 =	seq.s32 s10, $0x1;
	s10 =	sld [smem:$0x3FAB]  }
0x3d: {  	_ =	shalt  }
0x3e: {  	_ =	shalt  }
0x3f: {  	_ =	shalt  }
0x40: {  	_ =	shalt  }
0x41: {  	_ =	shalt  }
0x42: {  	_ =	shalt  }
0x43: {  	_ =	shalt  }
0x44: {  	_ =	shalt  }
0x45: {  	_ =	shalt  }
0x46: {  	_ =	shalt  }
0x47: {  	_ =	shalt  }
0x48: {  	_ =	shalt  }
0x49: {  	_ =	shalt  }
0x4a: {  	_ =	shalt  }
0x4b: {  	_ =	shalt  }
0x4c: {  	_ =	shalt  }
0x4d: {  	_ =	shalt  }
0x4e: {  	_ =	shalt  }
0x4f: {  	_ =	shalt  }
0x50: {  	_ =	shalt  }
0x51: {  	_ =	shalt  }
0x52: {  	_ =	shalt  }
0x53: {  	_ =	shalt  }
0x54: {  	_ =	shalt  }
0x55: {  	_ =	shalt  }
0x56: {  	_ =	shalt  }
0x57: {  	_ =	shalt  }
0x58: {  	_ =	shalt  }
0x59: {  	_ =	shalt  }
0x5a: {  	_ =	shalt  }
0x5b: {  	_ =	shalt  }
0x5c: {  	_ =	shalt  }
0x5d: {  	_ =	shalt  }
0x5e: {  	_ =	shalt  }
0x5f: {  	_ =	shalt  }
0x60: {  	_ =	shalt  }
0x61: {  	_ =	shalt  }
0x62: {  	_ =	shalt  }
0x63: {  	_ =	shalt  }
0x64: {  	_ =	shalt  }
0x65: {  	_ =	shalt  }
0x66: {  	_ =	shalt  }
0x67: {  	_ =	shalt  }
0x68: {  	_ =	shalt  }
0x69: {  	_ =	shalt  }
0x6a: {  	_ =	shalt  }
0x6b: {  	_ =	shalt  }
0x6c: {  	_ =	shalt  }
0x6d: {  	_ =	shalt  }
0x6e: {  	_ =	shalt  }
0x6f: {  	_ =	shalt  }
0x70: {  	_ =	shalt  }
0x71: {  	_ =	shalt  }
0x72: {  	_ =	shalt  }
0x73: {  	_ =	shalt  }
0x74: {  	_ =	shalt  }
0x75: {  	_ =	shalt  }
0x76: {  	_ =	shalt  }
0x77: {  	_ =	shalt  }
0x78: {  	_ =	shalt  }
0x79: {  	_ =	shalt  }
0x7a: {  	_ =	shalt  }
0x7b: {  	_ =	shalt  }
0x7c: {  	_ =	shalt  }
0x7d: {  	_ =	shalt  }
0x7e: {  	_ =	shalt  }
0x7f: {  	_ =	shalt  }
0x80: {  	_ =	shalt  }
0x81: {  	_ =	shalt  }
0x82: {  	_ =	shalt  }
0x83: {  	_ =	shalt  }
0x84: {  	_ =	shalt  }
0x85: {  	_ =	shalt  }
0x86: {  	_ =	shalt  }
0x87: {  	_ =	shalt  }
.Lfunc_end0:
.L_simem_size_0:
called_computation.2_lowered:
.L_overlay_start_0:
0x88: {  	s2 =	sld [smem:$0x3FD9]  }
0x89: {  	s3 =	sld [smem:$0x3FFE];
	_ =	sdelay $0x1  }
0x8a: {  	s1 =	srdreg.scid  }
0x8b: {  	s0 =	sand.u32 $0x1, s1  }
0x8c: {  	s16 =	sshll.u32 s0, $0xA;
	s2 =	sadd.s32 s3, s2  }
0x8d: {  	s2 =	sadd.s32 s2, s16  }
0x8e: {  	[smem:$0x3FB7] =	sst s2  }
0x8f: {  	_ = 	snop  }
0x90: {  	(tm) =	ssettm $0x1  }
0x91: {  	s17 =	sld [smem:$0x3FFB];
	_ =	sdelay $0x3  }
0x92: {  	_ =	strace s17  }
0x93: {  	s2 =	sld [smem:$0x3FFC];
	_ =	sdelay $0x3  }
0x94: {  	_ =	strace s2  }
0x95: {  	s2 =	sld [smem:$0x3FFD];
	_ =	sdelay $0x3  }
0x96: {  	_ =	strace s2  }
0x97: {  	_ =	strace $0x8FFFFFFF  }
0x98: {  	s18 =	sld [smem:$0x3FDB];
	_ =	sdelay $0x1  }
0x99: {  	s19 =	simm.s32 $_scs_section_size  }
0x9a: {  	s4 =	simm.s32 $_size__tile_overlayer_lowered;
	s5 =	simm.s32 $_tile_overlayer_lowered  }
0x9b: {  	s22 =	simm.s32 $0x1BFF;
	s21 =	sshll.u32 s5, $0x1;
	s2 =	sadd.s32 s19, s18  }
0x9c: {  	s6 =	simm.s32 $0x0;
	s20 =	sshll.u32 s4, $0x1;
	s4 =	sadd.s32 s21, s2  }
0x9d: {  	[timem:s6], [sflag:s22] =	dma.local [hbm:s4], s20  }
0x9e: {  	_ =	swait.ge [sflag:s22], s20  }
0x9f: {  	s3 =	ssub.s32 $0x0, s20;
	[sflag:s22] =	ssyncset.done $0x0  }
0xa0: {  	[sflag:s22] =	ssyncadd.s32 s3;
	_ =	sdelay $0x1  }
0xa1: {  	s23 =	simm.s32 $0x1B8B  }
0xa2: {  	_ =	swait.ge [sflag:s23], $0x1  }
0xa3: {  	[sflag:s23] =	ssyncset.done $0x0  }
0xa4: {  	s25 =	simm.s32 $0x1B8E;
	s24 =	sld [smem:$0x3FFE];
	[sflag:s23] =	ssyncadd.s32 $0xFFFFFFFF  }
0xa5: {  	s26 =	simm.s32 $execute0_lowered;
	[smem:$0x3FD2] =	sst s25  }
0xa6: {  	s4 =	sshll.u32 s26, $0x1;
	_ =	strace $0x8000004C;
	[dreg:$0x1] =	wrdreg $0xFFFFFFFF  }
0xa7: {  	s28 =	simm.s32 $_size_execute0_lowered;
	s2 =	sadd.s32 s2, s4;
	[dreg:$0x0] =	wrdreg $0x0  }
0xa8: {  	s4 =	sshll.u32 s28, $0x1;
	[dreg:$0x2] =	wrdreg s2  }
0xa9: {  	[dreg:$0x3] =	wrdreg s4  }
0xaa: {  	[dreg:$0x4] =	wrdreg $0xC0  }
0xab: {  	_ =	task [dreg:s6], $0x5FFFF  }
0xac: {  	[dreg:$0x1] =	wrdreg $0xFFFFFFFF  }
0xad: {  	[dreg:$0x0] =	wrdreg $0x60  }
0xae: {  	[dreg:$0x2] =	wrdreg s24  }
0xaf: {  	[dreg:$0x3] =	wrdreg $0xA8000  }
0xb0: {  	[dreg:$0x4] =	wrdreg $0x9  }
0xb1: {  	_ =	task.clear_ibuf [dreg:s6], $0x5FFFF;
	_ =	strace $0x9000004C  }
0xb2: {  	s29 =	simm.s32 $0x9;
	_ =	strace $0x8000004E  }
0xb3: {  	_ =	swait.ge [sflag:s29], $0x1  }
0xb4: {  	[sflag:s29] =	ssyncadd.s32 $0xFFFFFFFF  }
0xb5: {  	_ =	strace $0x9000004E  }
0xb6: {  	_ =	sfence  }
0xb7: {  	s30 =	sld [smem:$0x0];
	_ =	sdelay $0x2  }
0xb8: {  	s31 =	sshll.u32 s1, $0xD;
	s1 =	sshrl.u32 s1, $0x2  }
0xb9: {  	s3 =	sand.u32 $0x4000, s31;
	s1 =	sadd.s32 s1, s30  }
0xba: {  	s0 =	sor.u32 s3, s0;
	s1 =	sshll.u32 s1, $0x11  }
0xbb: {  	s0 =	sor.u32 s1, s0  }
0xbc: {  	s0 =	sadd.s32 $0x8F2B, s0  }
0xbd: {  	[sflag:s0] =	ssyncadd.remote.s32 $0x1  }
0xbe: {  	_ =	sfence.sel $0xFFFF  }
0xbf: {  	[dreg:$0x0] =	wrdreg $0xFFFFFFFF;
	(pc) =	sbr.abs _section_cstart, $3  }
0xc0: {  	[dreg:$0x1] =	wrdreg $0xFFFFFFFF  }
0xc1: {  	_ =	task.clear_ibuf [dreg:s6], $0x2FFFF;
	_ =	strace $0x9FFFFFFF  }
0xc2: {  	(tm) =	ssettm $0x7FFFFFFF  }
0xc3: {  	_ =	shalt  }
tec
execute0_lowered:
.L_overlay_start_1:
0x0: {  	(tag) =	ssettag $0x1  }
0x1: {  	s6 =	rddreg [dreg:$0x0]  }
0x2: {  	s1 =	rddreg [dreg:$0x1]  }
0x3: {  	s0 =	rddreg [dreg:$0x2];
	s3 =	simm.s32 $0x0;
	s4 =	srdreg.scid  }
0x4: {  	s2 =	stileid.u32;
	s13 =	simm.s32 $0x4000;
	s14 =	simm.s32 $0x50  }
0x5: {  	s15 =	simm.s32 $0x8000;
	s16 =	simm.s32 $0x1;
	s17 =	simm.s32 $0x0  }
0x6: {  	[smem:$0x7FF] =	sst s3;
	s7 =	sand.u32 $0x1, s4;
	s8 =	smul.u32 $0x2800, s2  }
0x7: {  	s5 =	sshll.u32 s2, $0xB;
	s11 =	smul.u32 $0x50000, s2;
	s31 =	sshll.u32 s2, $0x6  }
0x8: {  	s4 =	sshll.u32 s7, $0xF;
	_ =	strace $0x8000004D;
	s9 =	smul.u32 $0x28000, s7  }
0x9: {  	s7 =	ssub.s32 $0x2, s7;
	s5 =	sor.u32 s5, s4;
	s4 =	sadd.s32 $0x16400, s6  }
0xa: {  	s28 =	sshrl.u32 s7, $0x1;
	s29 =	sshrl.u32 s11, $0x2;
	s10 =	sadd.s32 s5, s6  }
0xb: {  	s5 =	sadd.s32 $0x13C00, s6;
	s8 =	sadd.s32 s8, s9;
	s30 =	ssub.s32 s7, s28  }
0xc: {  	s12 =	sadd.s32 s29, s1;
	s9 =	sadd.s32 s8, s6;
	s6 =	sor.u32 $0x1C02, s31  }
0xd: {  	s7 =	sadd.s32 $0x66A00, s10;
	s8 =	sadd.s32 $0x3C00, s10;
	s10 =	smax.u32 s30, $0x1  }
0xe: {  	s11 =	sshrl.u32 s12, $0x3;
	s12 =	simm.s32 $0x2;
	s9 =	sadd.s32 $0x76A00, s9  }
.LBB2_1:
0xf: {  	[spmem:s11], [sflag:s6] =	dma.local [hbm:s5], $0x2800  }
0x10: {  	_ =	swait.ge [sflag:s12], $0x2800  }
0x11: {  	[sflag:s12] =	ssyncset.done $0x0  }
0x12: {  	[sflag:s12] =	ssyncadd.s32 $0xFFFFD800  }
0x13: {  	[tilespmem:s3], [sflag:$0x2] =	stream.linear.gather [hbm4b:s7+s3], $0x3E80, $0x38;
	[tilespmem:$0x1E800] =	vst v63  }
0x14: {  	_ =	swait.ge [sflag:s12], $0x3E80  }
0x15: {  	[sflag:s12] =	ssyncset.done $0x0  }
0x16: {  	[sflag:s12] =	ssyncadd.s32 $0xFFFFC180  }
0x17: {  	[tilespmem:s13], [sflag:$0x2] =	stream.linear.gather [hbm4b:s8+s3], $0x3E80, $0x38;
	[tilespmem:$0x1E800] =	vst v63  }
0x18: {  	_ =	swait.ge [sflag:s12], $0x3E80  }
0x19: {  	[sflag:s12] =	ssyncset.done $0x0  }
0x1a: {  	[sflag:s12] =	ssyncadd.s32 $0xFFFFC180  }
0x1b: {  	s18 =	simm.s32 $0x0;
	[bflag:$0x0] =	sbarrier.arrive $0xFFFF  }
0x1c: {  	[tilespmem:s15], [sflag:$0x1] =	stream.indirect.gather [hbm4b:s4+s14], $0x80, s18, s14, $0xb8;
	[tilespmem:$0x1E800] =	vst v63  }
0x1d: {  	_ =	swait.ge [sflag:s16], $0x2800  }
0x1e: {  	[sflag:s16] =	ssyncset.done $0x0  }
0x1f: {  	s31 =	simm.s32 $0x4000;
	[sflag:s16] =	ssyncadd.s32 $0xFFFFD800  }
0x20: {  	[spmem:s1] =	stream.indirect.scatter.add.f32 [tilespmem:s15], [sflag:$0x2], $0x80, s31, s14, $0xb8;
	[tilespmem:$0x1E800] =	vst v63  }
0x21: {  	_ =	swait.ge [sflag:s12], $0x2800  }
0x22: {  	s19 =	simm.s32 $0x400;
	s18 =	simm.s32 $0x200;
	[sflag:s12] =	ssyncset.done $0x0  }
.LBB2_2:
0x23: {  	s20 =	sshra.s32 s18, $0x2  }
0x24: {  	[sflag:s12] =	ssyncadd.s32 $0xFFFFD800;
	s18 =	smov.u32 s19;
	s21 =	sadd.s32 $0x200, s19  }
0x25: {  	[tilespmem:s15], [sflag:$0x1] =	stream.indirect.gather [hbm4b:s4+s14], $0x80, s20, s14, $0xb8;
	[tilespmem:$0x1E800] =	vst v63  }
0x26: {  	p0 =	sne.s32 s19, $0xF800;
	_ =	swait.ge [sflag:s16], $0x2800  }
.Ltmp0:
0x27: {  	[sflag:s16] =	ssyncset.done $0x0;
	(pc) =	sbr.rel @p0 .LBB2_2-.Ltmp0, $4  }
0x28: {  	s19 =	sadd.s32 $0x4000, s20;
	[sflag:s16] =	ssyncadd.s32 $0xFFFFD800  }
0x29: {  	[spmem:s1] =	stream.indirect.scatter.add.f32 [tilespmem:s15], [sflag:$0x2], $0x80, s19, s14, $0xb8;
	[tilespmem:$0x1E800] =	vst v63  }
0x2a: {  	_ =	swait.ge [sflag:s12], $0x2800  }
0x2b: {  	s19 =	smov.u32 s21;
	[sflag:s12] =	ssyncset.done $0x0  }
0x2c: {  	s18 =	sshra.s32 s18, $0x2;
	[sflag:s12] =	ssyncadd.s32 $0xFFFFD800  }
0x2d: {  	[tilespmem:s15], [sflag:$0x1] =	stream.indirect.gather [hbm4b:s4+s14], $0x80, s18, s14, $0xb8;
	[tilespmem:$0x1E800] =	vst v63  }
0x2e: {  	_ =	swait.ge [sflag:s16], $0x2800  }
0x2f: {  	[sflag:s16] =	ssyncset.done $0x0  }
0x30: {  	s18 =	sadd.s32 $0x4000, s18;
	[sflag:s16] =	ssyncadd.s32 $0xFFFFD800  }
0x31: {  	[spmem:s1] =	stream.indirect.scatter.add.f32 [tilespmem:s15], [sflag:$0x2], $0x80, s18, s14, $0xb8;
	[tilespmem:$0x1E800] =	vst v63  }
0x32: {  	_ =	swait.ge [sflag:s12], $0x2800  }
0x33: {  	s17 =	sadd.s32 $0x1, s17;
	[sflag:s12] =	ssyncset.done $0x0  }
0x34: {  	p0 =	sne.s32 s17, s10;
	[sflag:s12] =	ssyncadd.s32 $0xFFFFD800  }
.Ltmp1:
0x35: {  	[bflag:$0x0] =	sbarrier.arrive $0xFFFF;
	(pc) =	sbr.rel @p0 .LBB2_1-.Ltmp1, $4  }
0x36: {  	[hbm:s9], [sflag:s6] =	dma.local [spmem:s11], $0x2800  }
0x37: {  	_ =	swait.ge [sflag:s12], $0x2800  }
0x38: {  	[sflag:s12] =	ssyncset.done $0x0  }
0x39: {  	[sflag:s12] =	ssyncadd.s32 $0xFFFFD800  }
0x3a: {  	_ =	sfence.sel $0x180000  }
0x3b: {  	[bflag:$0x0] =	sbarrier.arrive $0xFFFF  }
0x3c: {  	p0 =	sne.s32 s2, $0x0;
	_ =	strace $0x9000004D  }
0x3d: {  	s0 =	sadd.s32 @!p0 $0x100000, s0;
	[bflag:$0x2] =	sbarrier.arrive $0xFFFF  }
0x3e: {  	[sflag:s0] =	ssyncadd.tile.s32 @!p0 $0x1;
	_ =	shalt  }
.Lfunc_end2:
_tile_overlayer_lowered:
.L_overlay_start_2:
0x3f: {  	(tag) =	ssettag $0x2  }
0x40: {  	s0 =	rddreg [dreg:$0x0];
	s2 =	stileid.u32  }
0x41: {  	s1 =	rddreg [dreg:$0x1];
	p0 =	sne.s32 s2, $0x0  }
0x42: {  	s3 =	rddreg [dreg:$0x2];
	[bflag:$0x3] =	sbarrier.arrive $0xFFFF;
	s2 =	simm.s32 @!p0 $0x1C02  }
0x43: {  	[timem:s3], [sflag:s2] =	dma.local @!p0 [hbm:s0], s1  }
0x44: {  	s0 =	simm.s32 @!p0 $0x2  }
0x45: {  	_ =	swait.ge @!p0 [sflag:s0], s1  }
0x46: {  	s1 =	ssub.s32 @!p0 $0x0, s1;
	[sflag:s0] =	ssyncset.done @!p0 $0x0  }
0x47: {  	[sflag:s0] =	ssyncadd.s32 @!p0 s1  }
0x48: {  	[bflag:$0x3] =	sbarrier.arrive $0xFFFF  }
0x49: {  	_ =	shalt  }

// kernel: kernel.19.cloned.1.call-start
scs
__scs_entry_jumppad:
0x0: {  	(pc) =	sbr.rel $0x88, $3  }
0x1: {  	(tag) =	ssettag $0x0;
	lr =	simm.s32 $0x1  }
0x2: {  	[smem:$0x3F90] =	sst lr;
	_ =	strace $0xD0000000  }
0x3: {  	_ = 	snop  }
0x4: {  	_ = 	snop  }
0x5: {  	_ = 	snop  }
0x6: {  	_ = 	snop  }
0x7: {  	_ = 	snop  }
__scs_overlays_trampoline_lowered:
0x8: {  	[smem:$0x3F9F] =	sst s0  }
0x9: {  	[smem:$0x3FA0] =	sst s1  }
0xa: {  	[smem:$0x3FA1] =	sst s2  }
0xb: {  	[smem:$0x3FA2] =	sst s3  }
0xc: {  	[smem:$0x3FA3] =	sst s4  }
0xd: {  	[smem:$0x3FA4] =	sst s5  }
0xe: {  	[smem:$0x3FA5] =	sst s6  }
0xf: {  	[smem:$0x3FA6] =	sst s7  }
0x10: {  	[smem:$0x3FA7] =	sst s8  }
0x11: {  	[smem:$0x3FA8] =	sst s9;
	s0 =	simm.s32 @!p0 $0x0  }
0x12: {  	s1 =	sld [smem:$0x3F8E];
	s0 =	simm.s32 @p0 $0x1  }
0x13: {  	[smem:$0x3FA9] =	sst s0;
	s0 =	simm.s32 @!p1 $0x0  }
0x14: {  	s2 =	sld [smem:$0x3F8D];
	s0 =	simm.s32 @p1 $0x1  }
0x15: {  	[smem:$0x3FAA] =	sst s0;
	s0 =	simm.s32 @!p2 $0x0  }
0x16: {  	s3 =	sld [smem:$0x3FDB];
	s0 =	simm.s32 @p2 $0x1  }
0x17: {  	s4 =	simm.s32 $0x1BF5;
	[smem:$0x3FAC] =	sst s0  }
0x18: {  	s0 =	sld [smem:$0x3F8F];
	_ =	swait.ge [sflag:s4], $0x0  }
0x19: {  	s7 =	sld [smem:$0x3F90]  }
0x1a: {  	s8 =	sadd.s32 $0xFFFFE003, lr  }
0x1b: {  	s9 =	sadd.s32 $0xFFFFFEF7, lr;
	s5 =	simm.s32 $0xFFFFFFFF;
	p2 =	slt.u32 s8, $0xFFFFF086  }
0x1c: {  	p1 =	slt.u32 s9, $0xF7A;
	s5 =	simm.s32 @!p2 $0x0  }
0x1d: {  	s5 =	simm.s32 @p1 $0x1;
	p0 =	seq.s32 s7, s2  }
0x1e: {  	s7 =	smul.u32 @!p0 $0xF7A, s2;
	p2 =	seq.s32 @!p0 s5, $0x0  }
0x1f: {  	s9 =	smul.u32 $0xF7A, s1;
	s8 =	simm.s32 @!p0 $0x1BF5;
	p2 =	por !p2, p0  }
0x20: {  	[sflag:s8] =	ssyncset.s32 @!p0 $0xFFFFF086;
	s6 =	sadd.s32 @!p0 s3, s7;
	s7 =	simm.s32 @!p0 $0x108  }
0x21: {  	s3 =	sadd.s32 s3, s9;
	s6 =	sadd.s32 @!p0 $0x88, s6;
	s7 =	simm.s32 @p2 $0x1082  }
0x22: {  	[simem:s7], [sflag:s8] =	dma.local @!p0 [hbm:s6], $0xF7A  }
0x23: {  	s9 =	sor.u32 $0xD0000000, s2;
	s6 =	simm.s32 $0x108;
	_ =	swait.ge @!p0 [sflag:s8], $0x0  }
0x24: {  	s3 =	sadd.s32 $0x88, s3;
	s6 =	simm.s32 @!p1 $0x1082;
	[sflag:s4] =	ssyncset.s32 $0xFFFFF086  }
0x25: {  	[simem:s6], [sflag:s4] =	dma.local [hbm:s3], $0xF7A  }
0x26: {  	[smem:$0x3F90] =	sst s1;
	(tag) =	ssettag s2;
	_ =	strace s9  }
0x27: {  	s1 =	sld [smem:$0x3FA0]  }
0x28: {  	s2 =	sld [smem:$0x3FA1]  }
0x29: {  	s4 =	sld [smem:$0x3FA3]  }
0x2a: {  	p0 =	seq.s32 s5, $0x0;
	s5 =	sld [smem:$0x3FA4]  }
0x2b: {  	s6 =	sld [smem:$0x3FA5]  }
0x2c: {  	s7 =	sld [smem:$0x3FA6]  }
0x2d: {  	s3 =	simm.s32 $0x108;
	s8 =	sld [smem:$0x3FA7]  }
0x2e: {  	s3 =	simm.s32 @!p0 $0x1082;
	s9 =	sld [smem:$0x3FA8]  }
0x2f: {  	lr =	sadd.s32 s0, s3;
	s0 =	sld [smem:$0x3F9F]  }
0x30: {  	s3 =	sld [smem:$0x3FA2]  }
0x31: {  	[smem:$0x3FAB] =	sst s10  }
0x32: {  	s10 =	sld [smem:$0x3FA9];
	_ =	sdelay $0x3  }
0x33: {  	p0 =	seq.s32 s10, $0x1;
	s10 =	sld [smem:$0x3FAB];
	_ =	sdelay $0x3  }
0x34: {  	[smem:$0x3FAB] =	sst s10  }
0x35: {  	s10 =	sld [smem:$0x3FAA];
	_ =	sdelay $0x3  }
0x36: {  	p1 =	seq.s32 s10, $0x1;
	s10 =	sld [smem:$0x3FAB];
	_ =	sdelay $0x3  }
0x37: {  	[smem:$0x3FAB] =	sst s10  }
0x38: {  	s10 =	sld [smem:$0x3FAC]  }
0x39: {  	_ = 	snop;
	(pc) =	sbr.ind lr, $3  }
0x3a: {  	_ = 	snop  }
0x3b: {  	_ = 	snop  }
0x3c: {  	p2 =	seq.s32 s10, $0x1;
	s10 =	sld [smem:$0x3FAB]  }
0x3d: {  	_ =	shalt  }
0x3e: {  	_ =	shalt  }
0x3f: {  	_ =	shalt  }
0x40: {  	_ =	shalt  }
0x41: {  	_ =	shalt  }
0x42: {  	_ =	shalt  }
0x43: {  	_ =	shalt  }
0x44: {  	_ =	shalt  }
0x45: {  	_ =	shalt  }
0x46: {  	_ =	shalt  }
0x47: {  	_ =	shalt  }
0x48: {  	_ =	shalt  }
0x49: {  	_ =	shalt  }
0x4a: {  	_ =	shalt  }
0x4b: {  	_ =	shalt  }
0x4c: {  	_ =	shalt  }
0x4d: {  	_ =	shalt  }
0x4e: {  	_ =	shalt  }
0x4f: {  	_ =	shalt  }
0x50: {  	_ =	shalt  }
0x51: {  	_ =	shalt  }
0x52: {  	_ =	shalt  }
0x53: {  	_ =	shalt  }
0x54: {  	_ =	shalt  }
0x55: {  	_ =	shalt  }
0x56: {  	_ =	shalt  }
0x57: {  	_ =	shalt  }
0x58: {  	_ =	shalt  }
0x59: {  	_ =	shalt  }
0x5a: {  	_ =	shalt  }
0x5b: {  	_ =	shalt  }
0x5c: {  	_ =	shalt  }
0x5d: {  	_ =	shalt  }
0x5e: {  	_ =	shalt  }
0x5f: {  	_ =	shalt  }
0x60: {  	_ =	shalt  }
0x61: {  	_ =	shalt  }
0x62: {  	_ =	shalt  }
0x63: {  	_ =	shalt  }
0x64: {  	_ =	shalt  }
0x65: {  	_ =	shalt  }
0x66: {  	_ =	shalt  }
0x67: {  	_ =	shalt  }
0x68: {  	_ =	shalt  }
0x69: {  	_ =	shalt  }
0x6a: {  	_ =	shalt  }
0x6b: {  	_ =	shalt  }
0x6c: {  	_ =	shalt  }
0x6d: {  	_ =	shalt  }
0x6e: {  	_ =	shalt  }
0x6f: {  	_ =	shalt  }
0x70: {  	_ =	shalt  }
0x71: {  	_ =	shalt  }
0x72: {  	_ =	shalt  }
0x73: {  	_ =	shalt  }
0x74: {  	_ =	shalt  }
0x75: {  	_ =	shalt  }
0x76: {  	_ =	shalt  }
0x77: {  	_ =	shalt  }
0x78: {  	_ =	shalt  }
0x79: {  	_ =	shalt  }
0x7a: {  	_ =	shalt  }
0x7b: {  	_ =	shalt  }
0x7c: {  	_ =	shalt  }
0x7d: {  	_ =	shalt  }
0x7e: {  	_ =	shalt  }
0x7f: {  	_ =	shalt  }
0x80: {  	_ =	shalt  }
0x81: {  	_ =	shalt  }
0x82: {  	_ =	shalt  }
0x83: {  	_ =	shalt  }
0x84: {  	_ =	shalt  }
0x85: {  	_ =	shalt  }
0x86: {  	_ =	shalt  }
0x87: {  	_ =	shalt  }
.Lfunc_end0:
.L_simem_size_0:
called_computation.3_lowered:
.L_overlay_start_0:
0x88: {  	s2 =	sld [smem:$0x3FD9]  }
0x89: {  	s3 =	sld [smem:$0x3FFE];
	_ =	sdelay $0x1  }
0x8a: {  	s1 =	srdreg.scid  }
0x8b: {  	s0 =	sand.u32 $0x1, s1  }
0x8c: {  	s16 =	sshll.u32 s0, $0xA;
	s2 =	sadd.s32 s3, s2  }
0x8d: {  	s2 =	sadd.s32 s2, s16  }
0x8e: {  	[smem:$0x3FB7] =	sst s2  }
0x8f: {  	_ = 	snop  }
0x90: {  	(tm) =	ssettm $0x1  }
0x91: {  	s17 =	sld [smem:$0x3FFB];
	_ =	sdelay $0x3  }
0x92: {  	_ =	strace s17  }
0x93: {  	s2 =	sld [smem:$0x3FFC];
	_ =	sdelay $0x3  }
0x94: {  	_ =	strace s2  }
0x95: {  	s2 =	sld [smem:$0x3FFD];
	_ =	sdelay $0x3  }
0x96: {  	_ =	strace s2  }
0x97: {  	_ =	strace $0x8FFFFFFF  }
0x98: {  	s18 =	sld [smem:$0x3FDB];
	_ =	sdelay $0x1  }
0x99: {  	s19 =	simm.s32 $_scs_section_size  }
0x9a: {  	s4 =	simm.s32 $_size__tile_overlayer_lowered;
	s5 =	simm.s32 $_tile_overlayer_lowered  }
0x9b: {  	s22 =	simm.s32 $0x1BFF;
	s21 =	sshll.u32 s5, $0x1;
	s2 =	sadd.s32 s19, s18  }
0x9c: {  	s6 =	simm.s32 $0x0;
	s20 =	sshll.u32 s4, $0x1;
	s4 =	sadd.s32 s21, s2  }
0x9d: {  	[timem:s6], [sflag:s22] =	dma.local [hbm:s4], s20  }
0x9e: {  	_ =	swait.ge [sflag:s22], s20  }
0x9f: {  	s3 =	ssub.s32 $0x0, s20;
	[sflag:s22] =	ssyncset.done $0x0  }
0xa0: {  	[sflag:s22] =	ssyncadd.s32 s3;
	_ =	sdelay $0x1  }
0xa1: {  	s23 =	simm.s32 $0x1B8B  }
0xa2: {  	_ =	swait.ge [sflag:s23], $0x1  }
0xa3: {  	[sflag:s23] =	ssyncset.done $0x0  }
0xa4: {  	s25 =	simm.s32 $0x1B8E;
	s24 =	sld [smem:$0x3FFE];
	[sflag:s23] =	ssyncadd.s32 $0xFFFFFFFF  }
0xa5: {  	s26 =	simm.s32 $execute0_lowered;
	[smem:$0x3FD2] =	sst s25  }
0xa6: {  	s4 =	sshll.u32 s26, $0x1;
	_ =	strace $0x8000004F;
	[dreg:$0x1] =	wrdreg $0xFFFFFFFF  }
0xa7: {  	s28 =	simm.s32 $_size_execute0_lowered;
	s2 =	sadd.s32 s2, s4;
	[dreg:$0x0] =	wrdreg $0x0  }
0xa8: {  	s4 =	sshll.u32 s28, $0x1;
	[dreg:$0x2] =	wrdreg s2  }
0xa9: {  	[dreg:$0x3] =	wrdreg s4  }
0xaa: {  	[dreg:$0x4] =	wrdreg $0xC0  }
0xab: {  	_ =	task [dreg:s6], $0x5FFFF  }
0xac: {  	[dreg:$0x1] =	wrdreg $0xFFFFFFFF  }
0xad: {  	[dreg:$0x0] =	wrdreg $0x60  }
0xae: {  	[dreg:$0x2] =	wrdreg s24  }
0xaf: {  	[dreg:$0x3] =	wrdreg $0xA8000  }
0xb0: {  	[dreg:$0x4] =	wrdreg $0x9  }
0xb1: {  	_ =	task.clear_ibuf [dreg:s6], $0x5FFFF;
	_ =	strace $0x9000004F  }
0xb2: {  	s29 =	simm.s32 $0x9;
	_ =	strace $0x80000051  }
0xb3: {  	_ =	swait.ge [sflag:s29], $0x1  }
0xb4: {  	[sflag:s29] =	ssyncadd.s32 $0xFFFFFFFF  }
0xb5: {  	_ =	strace $0x90000051  }
0xb6: {  	_ =	sfence  }
0xb7: {  	s30 =	sld [smem:$0x0];
	_ =	sdelay $0x2  }
0xb8: {  	s31 =	sshll.u32 s1, $0xD;
	s1 =	sshrl.u32 s1, $0x2  }
0xb9: {  	s3 =	sand.u32 $0x4000, s31;
	s1 =	sadd.s32 s1, s30  }
0xba: {  	s0 =	sor.u32 s3, s0;
	s1 =	sshll.u32 s1, $0x11  }
0xbb: {  	s0 =	sor.u32 s1, s0  }
0xbc: {  	s0 =	sadd.s32 $0x8F2B, s0  }
0xbd: {  	[sflag:s0] =	ssyncadd.remote.s32 $0x1  }
0xbe: {  	_ =	sfence.sel $0xFFFF  }
0xbf: {  	[dreg:$0x0] =	wrdreg $0xFFFFFFFF;
	(pc) =	sbr.abs _section_cstart, $3  }
0xc0: {  	[dreg:$0x1] =	wrdreg $0xFFFFFFFF  }
0xc1: {  	_ =	task.clear_ibuf [dreg:s6], $0x2FFFF;
	_ =	strace $0x9FFFFFFF  }
0xc2: {  	(tm) =	ssettm $0x7FFFFFFF  }
0xc3: {  	_ =	shalt  }
tec
execute0_lowered:
.L_overlay_start_1:
0x0: {  	(tag) =	ssettag $0x1  }
0x1: {  	s6 =	rddreg [dreg:$0x0]  }
0x2: {  	s1 =	rddreg [dreg:$0x1]  }
0x3: {  	s0 =	rddreg [dreg:$0x2];
	s3 =	simm.s32 $0x0;
	s4 =	srdreg.scid  }
0x4: {  	s2 =	stileid.u32;
	s13 =	simm.s32 $0x4000;
	s14 =	simm.s32 $0x50  }
0x5: {  	s15 =	simm.s32 $0x8000;
	s16 =	simm.s32 $0x1;
	s17 =	simm.s32 $0x0  }
0x6: {  	[smem:$0x7FF] =	sst s3;
	s7 =	sand.u32 $0x1, s4;
	s8 =	smul.u32 $0x2800, s2  }
0x7: {  	s5 =	sshll.u32 s2, $0xB;
	s11 =	smul.u32 $0x50000, s2;
	s31 =	sshll.u32 s2, $0x6  }
0x8: {  	s4 =	sshll.u32 s7, $0xF;
	_ =	strace $0x80000050;
	s9 =	smul.u32 $0x28000, s7  }
0x9: {  	s7 =	ssub.s32 $0x2, s7;
	s5 =	sor.u32 s5, s4;
	s4 =	sadd.s32 $0x16400, s6  }
0xa: {  	s28 =	sshrl.u32 s7, $0x1;
	s29 =	sshrl.u32 s11, $0x2;
	s10 =	sadd.s32 s5, s6  }
0xb: {  	s5 =	sadd.s32 $0x13C00, s6;
	s8 =	sadd.s32 s8, s9;
	s30 =	ssub.s32 s7, s28  }
0xc: {  	s12 =	sadd.s32 s29, s1;
	s9 =	sadd.s32 s8, s6;
	s6 =	sor.u32 $0x1C02, s31  }
0xd: {  	s7 =	sadd.s32 $0x66A00, s10;
	s8 =	sadd.s32 $0x3C00, s10;
	s10 =	smax.u32 s30, $0x1  }
0xe: {  	s11 =	sshrl.u32 s12, $0x3;
	s12 =	simm.s32 $0x2;
	s9 =	sadd.s32 $0x76A00, s9  }
.LBB2_1:
0xf: {  	[spmem:s11], [sflag:s6] =	dma.local [hbm:s5], $0x2800  }
0x10: {  	_ =	swait.ge [sflag:s12], $0x2800  }
0x11: {  	[sflag:s12] =	ssyncset.done $0x0  }
0x12: {  	[sflag:s12] =	ssyncadd.s32 $0xFFFFD800  }
0x13: {  	[tilespmem:s3], [sflag:$0x2] =	stream.linear.gather [hbm4b:s7+s3], $0x3E80, $0x38;
	[tilespmem:$0x1E800] =	vst v63  }
0x14: {  	_ =	swait.ge [sflag:s12], $0x3E80  }
0x15: {  	[sflag:s12] =	ssyncset.done $0x0  }
0x16: {  	[sflag:s12] =	ssyncadd.s32 $0xFFFFC180  }
0x17: {  	[tilespmem:s13], [sflag:$0x2] =	stream.linear.gather [hbm4b:s8+s3], $0x3E80, $0x38;
	[tilespmem:$0x1E800] =	vst v63  }
0x18: {  	_ =	swait.ge [sflag:s12], $0x3E80  }
0x19: {  	[sflag:s12] =	ssyncset.done $0x0  }
0x1a: {  	[sflag:s12] =	ssyncadd.s32 $0xFFFFC180  }
0x1b: {  	s18 =	simm.s32 $0x0;
	[bflag:$0x0] =	sbarrier.arrive $0xFFFF  }
0x1c: {  	[tilespmem:s15], [sflag:$0x1] =	stream.indirect.gather [hbm4b:s4+s14], $0x80, s18, s14, $0xb8;
	[tilespmem:$0x1E800] =	vst v63  }
0x1d: {  	_ =	swait.ge [sflag:s16], $0x2800  }
0x1e: {  	[sflag:s16] =	ssyncset.done $0x0  }
0x1f: {  	s31 =	simm.s32 $0x4000;
	[sflag:s16] =	ssyncadd.s32 $0xFFFFD800  }
0x20: {  	[spmem:s1] =	stream.indirect.scatter.add.f32 [tilespmem:s15], [sflag:$0x2], $0x80, s31, s14, $0xb8;
	[tilespmem:$0x1E800] =	vst v63  }
0x21: {  	_ =	swait.ge [sflag:s12], $0x2800  }
0x22: {  	s19 =	simm.s32 $0x400;
	s18 =	simm.s32 $0x200;
	[sflag:s12] =	ssyncset.done $0x0  }
.LBB2_2:
0x23: {  	s20 =	sshra.s32 s18, $0x2  }
0x24: {  	[sflag:s12] =	ssyncadd.s32 $0xFFFFD800;
	s18 =	smov.u32 s19;
	s21 =	sadd.s32 $0x200, s19  }
0x25: {  	[tilespmem:s15], [sflag:$0x1] =	stream.indirect.gather [hbm4b:s4+s14], $0x80, s20, s14, $0xb8;
	[tilespmem:$0x1E800] =	vst v63  }
0x26: {  	p0 =	sne.s32 s19, $0xF800;
	_ =	swait.ge [sflag:s16], $0x2800  }
.Ltmp0:
0x27: {  	[sflag:s16] =	ssyncset.done $0x0;
	(pc) =	sbr.rel @p0 .LBB2_2-.Ltmp0, $4  }
0x28: {  	s19 =	sadd.s32 $0x4000, s20;
	[sflag:s16] =	ssyncadd.s32 $0xFFFFD800  }
0x29: {  	[spmem:s1] =	stream.indirect.scatter.add.f32 [tilespmem:s15], [sflag:$0x2], $0x80, s19, s14, $0xb8;
	[tilespmem:$0x1E800] =	vst v63  }
0x2a: {  	_ =	swait.ge [sflag:s12], $0x2800  }
0x2b: {  	s19 =	smov.u32 s21;
	[sflag:s12] =	ssyncset.done $0x0  }
0x2c: {  	s18 =	sshra.s32 s18, $0x2;
	[sflag:s12] =	ssyncadd.s32 $0xFFFFD800  }
0x2d: {  	[tilespmem:s15], [sflag:$0x1] =	stream.indirect.gather [hbm4b:s4+s14], $0x80, s18, s14, $0xb8;
	[tilespmem:$0x1E800] =	vst v63  }
0x2e: {  	_ =	swait.ge [sflag:s16], $0x2800  }
0x2f: {  	[sflag:s16] =	ssyncset.done $0x0  }
0x30: {  	s18 =	sadd.s32 $0x4000, s18;
	[sflag:s16] =	ssyncadd.s32 $0xFFFFD800  }
0x31: {  	[spmem:s1] =	stream.indirect.scatter.add.f32 [tilespmem:s15], [sflag:$0x2], $0x80, s18, s14, $0xb8;
	[tilespmem:$0x1E800] =	vst v63  }
0x32: {  	_ =	swait.ge [sflag:s12], $0x2800  }
0x33: {  	s17 =	sadd.s32 $0x1, s17;
	[sflag:s12] =	ssyncset.done $0x0  }
0x34: {  	p0 =	sne.s32 s17, s10;
	[sflag:s12] =	ssyncadd.s32 $0xFFFFD800  }
.Ltmp1:
0x35: {  	[bflag:$0x0] =	sbarrier.arrive $0xFFFF;
	(pc) =	sbr.rel @p0 .LBB2_1-.Ltmp1, $4  }
0x36: {  	[hbm:s9], [sflag:s6] =	dma.local [spmem:s11], $0x2800  }
0x37: {  	_ =	swait.ge [sflag:s12], $0x2800  }
0x38: {  	[sflag:s12] =	ssyncset.done $0x0  }
0x39: {  	[sflag:s12] =	ssyncadd.s32 $0xFFFFD800  }
0x3a: {  	_ =	sfence.sel $0x180000  }
0x3b: {  	[bflag:$0x0] =	sbarrier.arrive $0xFFFF  }
0x3c: {  	p0 =	sne.s32 s2, $0x0;
	_ =	strace $0x90000050  }
0x3d: {  	s0 =	sadd.s32 @!p0 $0x100000, s0;
	[bflag:$0x2] =	sbarrier.arrive $0xFFFF  }
0x3e: {  	[sflag:s0] =	ssyncadd.tile.s32 @!p0 $0x1;
	_ =	shalt  }
.Lfunc_end2:
_tile_overlayer_lowered:
.L_overlay_start_2:
0x3f: {  	(tag) =	ssettag $0x2  }
0x40: {  	s0 =	rddreg [dreg:$0x0];
	s2 =	stileid.u32  }
0x41: {  	s1 =	rddreg [dreg:$0x1];
	p0 =	sne.s32 s2, $0x0  }
0x42: {  	s3 =	rddreg [dreg:$0x2];
	[bflag:$0x3] =	sbarrier.arrive $0xFFFF;
	s2 =	simm.s32 @!p0 $0x1C02  }
0x43: {  	[timem:s3], [sflag:s2] =	dma.local @!p0 [hbm:s0], s1  }
0x44: {  	s0 =	simm.s32 @!p0 $0x2  }
0x45: {  	_ =	swait.ge @!p0 [sflag:s0], s1  }
0x46: {  	s1 =	ssub.s32 @!p0 $0x0, s1;
	[sflag:s0] =	ssyncset.done @!p0 $0x0  }
0x47: {  	[sflag:s0] =	ssyncadd.s32 @!p0 s1  }
0x48: {  	[bflag:$0x3] =	sbarrier.arrive $0xFFFF  }
0x49: {  	_ =	shalt  }

</sc_bundles>
